<compile_context>
chip_gen: v7x
topology: tpu7x:2x2x1
jax: 0.10.2.dev20260603
libtpu: 0.0.44.dev20260713+nightly
codegen_flags: <defaults>
</compile_context>

<pallas_src>
import functools

import jax
import jax.numpy as jnp
from jax import lax
from jax.experimental import pallas as pl
from jax.experimental.pallas import tpu as pltpu
from jax.experimental.pallas import tpu_sc as plsc

N_NODES = 10000
N_EDGES = 320000
D_FEAT = 128
EMBED_DIM = 128
BATCH = 4096
NUM_FIELDS = 26

NC = 2
NS = 16
NW = NC * NS
L = 16

CH = 80
EPW = CH * 128
EPAD = NW * EPW
CHH = CH // 2
NP = 10240
RPT = NP // NS
XROWS = BATCH * NUM_FIELDS // 128
XPW = XROWS // NW

_MESH = plsc.VectorSubcoreMesh(core_axis_name="c", subcore_axis_name="s")


@functools.partial(
    pl.kernel,
    out_type=jax.ShapeDtypeStruct((NW * NP,), jnp.float32),
    mesh=_MESH,
    scratch_types=[
        pltpu.VMEM((2, CHH, 128), jnp.int32),
        pltpu.VMEM((NP,), jnp.float32),
    ],
    compiler_params=pltpu.CompilerParams(needs_layout_passes=False),
)
def _sc_degree(dst_hbm, out_hbm, idx_v, deg_v):
    c = lax.axis_index("c")
    s = lax.axis_index("s")
    wid = c * NS + s
    pltpu.sync_copy(dst_hbm.at[wid], idx_v)

    zeros = jnp.zeros((L,), jnp.float32)

    def _zero(i, carry):
        deg_v[pl.ds(i * L, L)] = zeros
        return carry

    lax.fori_loop(0, NP // L, _zero, 0)

    ones = jnp.ones((L,), jnp.float32)

    for h in range(2):
        def _chunk(j, carry):
            def _sub(k, carry2):
                idx16 = idx_v[h, j, pl.ds(k * L, L)]
                plsc.addupdate_scatter(deg_v, [idx16], ones)
                return carry2

            return lax.fori_loop(0, 128 // L, _sub, carry)

        lax.fori_loop(0, CHH, _chunk, 0)
    pltpu.sync_copy(deg_v, out_hbm.at[pl.ds(wid * NP, NP)])


def _dinv_col(degp_blk):
    ones = jnp.ones((NW, 1), jnp.float32)
    deg = lax.dot_general(degp_blk, ones, (((0,), (0,)), ((), ())),
                          preferred_element_type=jnp.float32) + 1.0
    return lax.rsqrt(deg)


def _tc_prep_body(feat_ref, w_ref, degp_ref, y_ref):
    xw = jnp.dot(feat_ref[...], w_ref[...], preferred_element_type=jnp.float32)
    y_ref[...] = xw * _dinv_col(degp_ref[...])


_TCR = 1024

_tc_prep = pl.pallas_call(
    _tc_prep_body,
    grid=(NP // _TCR,),
    in_specs=[
        pl.BlockSpec((_TCR, D_FEAT), lambda i: (i, 0)),
        pl.BlockSpec((D_FEAT, EMBED_DIM), lambda i: (0, 0)),
        pl.BlockSpec((NW, _TCR), lambda i: (0, i)),
    ],
    out_specs=pl.BlockSpec((_TCR, EMBED_DIM), lambda i: (i, 0)),
    out_shape=jax.ShapeDtypeStruct((NP, EMBED_DIM), jnp.float32),
)


@functools.partial(
    pl.kernel,
    out_type=jax.ShapeDtypeStruct((NC, NP, EMBED_DIM), jnp.float32),
    mesh=_MESH,
    scratch_types=[
        pltpu.VMEM((CHH, 128), jnp.int32),
        pltpu.VMEM((CHH, 128), jnp.int32),
        pltpu.VMEM((128, EMBED_DIM), jnp.float32),
        pltpu.VMEM((128, EMBED_DIM), jnp.float32),
        pltpu.VMEM_SHARED((NP, EMBED_DIM), jnp.float32),
        pltpu.SemaphoreType.DMA,
        pltpu.SemaphoreType.DMA,
    ],
)
def _sc_scatter(src_hbm, dst_hbm, y_hbm, zeros_hbm, out_hbm,
                src_v, dst_v, buf0, buf1, acc_sh, g0, g1):
    bufs = (buf0, buf1)
    gsems = (g0, g1)
    c = lax.axis_index("c")
    s = lax.axis_index("s")
    wid = c * NS + s
    pltpu.sync_copy(zeros_hbm, acc_sh.at[pl.ds(s * RPT, RPT)])
    plsc.subcore_barrier()

    def _start_g(j, k):
        pltpu.async_copy(y_hbm.at[src_v.at[j]], bufs[k], gsems[k])

    def _wait_g(k):
        pltpu.make_async_copy(y_hbm.at[src_v.at[0]], bufs[k],
                              gsems[k]).wait()

    for h in range(2):
        pltpu.sync_copy(src_hbm.at[wid, h], src_v)
        pltpu.sync_copy(dst_hbm.at[wid, h], dst_v)
        _start_g(0, 0)

        def _round(i, carry):
            j0 = i * 2
            _wait_g(0)
            _start_g(j0 + 1, 1)
            pltpu.sync_copy(bufs[0], acc_sh.at[dst_v.at[j0]], add=True)
            _wait_g(1)

            @pl.when(i < CHH // 2 - 1)
            def _pg():
                _start_g(j0 + 2, 0)

            pltpu.sync_copy(bufs[1], acc_sh.at[dst_v.at[j0 + 1]],
                            add=True)
            return carry

        lax.fori_loop(0, CHH // 2, _round, 0)

    plsc.subcore_barrier()
    pltpu.sync_copy(acc_sh.at[pl.ds(s * RPT, RPT)],
                    out_hbm.at[c, pl.ds(s * RPT, RPT)])


def _tc_combine_body(acc_ref, y_ref, degp_ref, b_ref, out_ref):
    acc = acc_ref[0] + acc_ref[1]
    dinv = _dinv_col(degp_ref[...])
    out_ref[...] = dinv * (acc + y_ref[...]) + b_ref[...][None, :]


_tc_combine = pl.pallas_call(
    _tc_combine_body,
    grid=(NP // _TCR,),
    in_specs=[
        pl.BlockSpec((NC, _TCR, EMBED_DIM), lambda i: (0, i, 0)),
        pl.BlockSpec((_TCR, EMBED_DIM), lambda i: (i, 0)),
        pl.BlockSpec((NW, _TCR), lambda i: (0, i)),
        pl.BlockSpec((EMBED_DIM,), lambda i: (0,)),
    ],
    out_specs=pl.BlockSpec((_TCR, EMBED_DIM), lambda i: (i, 0)),
    out_shape=jax.ShapeDtypeStruct((NP, EMBED_DIM), jnp.float32),
)


@functools.partial(
    pl.kernel,
    out_type=jax.ShapeDtypeStruct((XROWS, 128, EMBED_DIM), jnp.float32),
    mesh=_MESH,
    scratch_types=[
        pltpu.VMEM((XPW, 128), jnp.int32),
        pltpu.VMEM((128, EMBED_DIM), jnp.float32),
        pltpu.VMEM((128, EMBED_DIM), jnp.float32),
        pltpu.SemaphoreType.DMA,
        pltpu.SemaphoreType.DMA,
    ],
)
def _sc_gather(emb_hbm, x_hbm, out_hbm, idx_v, rows_v0, rows_v1, sem0,
               sem1):
    bufs = (rows_v0, rows_v1)
    sems = (sem0, sem1)
    c = lax.axis_index("c")
    s = lax.axis_index("s")
    wid = c * NS + s
    pltpu.sync_copy(x_hbm.at[wid], idx_v)

    def _start_g(j, k):
        pltpu.async_copy(emb_hbm.at[idx_v.at[j]], bufs[k], sems[k])

    def _wait_g(k):
        pltpu.make_async_copy(emb_hbm.at[idx_v.at[0]], bufs[k],
                              sems[k]).wait()

    _start_g(0, 0)

    def _chunk(i, carry):
        j0 = i * 2
        _wait_g(0)
        _start_g(j0 + 1, 1)
        pltpu.sync_copy(bufs[0], out_hbm.at[wid * XPW + j0])
        _wait_g(1)

        @pl.when(i < XPW // 2 - 1)
        def _pg():
            _start_g(j0 + 2, 0)

        pltpu.sync_copy(bufs[1], out_hbm.at[wid * XPW + j0 + 1])
        return carry

    lax.fori_loop(0, XPW // 2, _chunk, 0)


def kernel(x, features, edge_index, W, b):
    src = edge_index[0].astype(jnp.int32)
    dst = edge_index[1].astype(jnp.int32)
    npad = EPAD - N_EDGES
    pad_dst = N_NODES + (lax.iota(jnp.int32, npad) % (NP - N_NODES))
    pad_src = lax.iota(jnp.int32, npad) % N_NODES
    src2d = jnp.concatenate(
        [src, pad_src]).reshape(NW, 2, CHH, 128)
    dst2d = jnp.concatenate(
        [dst, pad_dst]).reshape(NW, 2, CHH, 128)
    x2d = x.astype(jnp.int32).reshape(NW, XPW, 128)
    zeros_blk = jnp.zeros((RPT, EMBED_DIM), jnp.float32)

    degp = _sc_degree(dst2d).reshape(NW, NP)
    y = _tc_prep(features, W, degp)
    acc = _sc_scatter(src2d, dst2d, y, zeros_blk)
    emb = _tc_combine(acc, y, degp, b)
    out = _sc_gather(emb, x2d)
    return out.reshape(BATCH, NUM_FIELDS, EMBED_DIM)

# --- scband reference (transcript-rebuilt; emitter-appended) ---
"""Pipeline reference for scband-graph-model-29738353557515 (READ-ONLY COPY).

The authoritative reference and input builder live on the scoring server;
editing this copy changes nothing except your own understanding.
"""

import jax, jax.numpy as jnp
import numpy as np

N_NODES = 10000
N_EDGES = 320000
D_FEAT = 128
EMBED_DIM = 128
BATCH = 4096
NUM_FIELDS = 26


def setup_inputs(seed: int = 0) -> dict:
    key = jax.random.key(seed)
    k1, k2, k3, k4 = jax.random.split(key, 4)
    features = jax.random.normal(k1, (N_NODES, D_FEAT), dtype=jnp.float32)
    edge_index = jax.random.randint(k2, (2, N_EDGES), 0, N_NODES, dtype=jnp.int64)
    x = jax.random.randint(k3, (BATCH, NUM_FIELDS), 0, N_NODES, dtype=jnp.int64)
    # GCNConv learned parameters (glorot-ish init for weight, zeros for bias)
    W = jax.random.normal(k4, (D_FEAT, EMBED_DIM), dtype=jnp.float32) * (1.0 / np.sqrt(D_FEAT))
    b = jnp.zeros((EMBED_DIM,), dtype=jnp.float32)
    return {"x": x, "features": features, "edge_index": edge_index, "W": W, "b": b}


def _gcn_conv(features, edge_index, W, b):
    # GCNConv: out = D^{-1/2} (A + I) D^{-1/2} X W + b
    src = edge_index[0]
    dst = edge_index[1]
    # add self loops
    loop = jnp.arange(N_NODES, dtype=src.dtype)
    src = jnp.concatenate([src, loop], axis=0)
    dst = jnp.concatenate([dst, loop], axis=0)
    # degree (in-degree with self loops)
    ones = jnp.ones(src.shape[0], dtype=features.dtype)
    deg = jax.ops.segment_sum(ones, dst, num_segments=N_NODES)
    deg_inv_sqrt = jnp.where(deg > 0, jax.lax.rsqrt(deg), 0.0)
    norm = deg_inv_sqrt[src] * deg_inv_sqrt[dst]
    # linear transform then propagate
    xw = features @ W
    msgs = jnp.take(xw, src, axis=0) * norm[:, None]
    out = jax.ops.segment_sum(msgs, dst, num_segments=N_NODES)
    return out + b


def reference(x, features, edge_index, W, b):
    node_emb = _gcn_conv(features, edge_index, W, b)  # [N_NODES, EMBED_DIM]
    return node_emb[x]  # gather -> [BATCH, NUM_FIELDS, EMBED_DIM]

if __name__ == "__main__":
    import jax
    _d = setup_inputs()
    print(jax.jit(kernel)(*tuple(_d.values())))

</pallas_src>

<mosaic_0001>
#map = affine_map<(d0, d1) -> (0, 0, 0, 0)>
#map1 = affine_map<(d0, d1) -> (0, 0)>
#map2 = affine_map<(d0, d1) -> (0, 0, 0)>
module attributes {stable_mosaic.version = 14 : i64} {
  func.func @_sc_scatter(%arg0: i32, %arg1: i32, %arg2: memref<32x2x40x128xi32, #tpu.memory_space<hbm>>, %arg3: memref<32x2x40x128xi32, #tpu.memory_space<hbm>>, %arg4: memref<10240x128xf32, #tpu.memory_space<hbm>>, %arg5: memref<640x128xf32, #tpu.memory_space<hbm>>, %arg6: memref<2x10240x128xf32, #tpu.memory_space<hbm>>, %arg7: memref<40x128xi32, #tpu.memory_space<vmem>>, %arg8: memref<40x128xi32, #tpu.memory_space<vmem>>, %arg9: memref<128x128xf32, #tpu.memory_space<vmem>>, %arg10: memref<128x128xf32, #tpu.memory_space<vmem>>, %arg11: memref<10240x128xf32, #tpu.memory_space<vmem_shared>>, %arg12: memref<!tpu.dma_semaphore, #tpu.memory_space<semaphore_mem>>, %arg13: memref<!tpu.dma_semaphore, #tpu.memory_space<semaphore_mem>>) attributes {dimension_semantics = [#tpu.dimension_semantics<core_parallel>, #tpu.dimension_semantics<subcore_parallel>], iteration_bounds = array<i64: 2, 16>, scalar_prefetch = 0 : i64, scratch_operands = 7 : i64, tpu.core_type = #tpu.core_type<sc_vector_subcore>, window_params = [{transform_indices = #map}, {transform_indices = #map}, {transform_indices = #map1}, {transform_indices = #map1}, {transform_indices = #map2}]} {
    %mul3A = arith.constant 16 : i32
    %mul3A_0 = arith.muli %arg0, %mul3A : i32
    %add3A = arith.addi %mul3A_0, %arg1 : i32
    %mul3A_1 = arith.constant 640 : i32
    %mul3A_2 = arith.muli %arg1, %mul3A_1 : i32
    "tpu.region"() ({
      %run_scoped3A_35 = tpu.sem_alloc : memref<!tpu.dma_semaphore, #tpu.memory_space<semaphore_mem>>
      %dma_start3A_36 = arith.constant 0 : i32
      %dma_start3A_37 = tpu.memref_slice %arg11[%mul3A_2, %dma_start3A_36] : memref<10240x128xf32, #tpu.memory_space<vmem_shared>> -> memref<640x128xf32, #tpu.memory_space<vmem_shared>>
      tpu.enqueue_dma source(%arg5 : memref<640x128xf32, #tpu.memory_space<hbm>>) target(%dma_start3A_37 : memref<640x128xf32, #tpu.memory_space<vmem_shared>>) target_semaphore(%run_scoped3A_35 : memref<!tpu.dma_semaphore, #tpu.memory_space<semaphore_mem>>)
      %dma_wait3A = arith.constant 0 : i32
      %dma_wait3A_38 = tpu.memref_slice %arg11[%mul3A_2, %dma_wait3A] : memref<10240x128xf32, #tpu.memory_space<vmem_shared>> -> memref<640x128xf32, #tpu.memory_space<vmem_shared>>
      tpu.wait_dma2 semaphore(%run_scoped3A_35 : memref<!tpu.dma_semaphore, #tpu.memory_space<semaphore_mem>>) src(%arg5 : memref<640x128xf32, #tpu.memory_space<hbm>>) dst(%dma_wait3A_38 : memref<640x128xf32, #tpu.memory_space<vmem_shared>>)
      tpu.yield
    }) : () -> ()
    %barrier3A = arith.constant 0 : index
    tpu.barrier barrier_id(%barrier3A)
    %run_scoped3A = arith.constant 0 : i32
    "tpu.region"() ({
      %run_scoped3A_35 = tpu.sem_alloc : memref<!tpu.dma_semaphore, #tpu.memory_space<semaphore_mem>>
      %dma_start3A_36 = arith.constant 0 : i32
      %dma_start3A_37 = arith.constant 0 : i32
      %dma_start3A_38 = tpu.memref_slice %arg2[%add3A, %run_scoped3A, %dma_start3A_36, %dma_start3A_37] : memref<32x2x40x128xi32, #tpu.memory_space<hbm>> -> memref<1x1x40x128xi32, #tpu.memory_space<hbm>>
      %dma_start3A_39 = tpu.memref_squeeze %dma_start3A_38 : memref<1x1x40x128xi32, #tpu.memory_space<hbm>> -> memref<40x128xi32, #tpu.memory_space<hbm>>
      %dma_start3A_40 = arith.constant 0 : i32
      %dma_start3A_41 = arith.constant 0 : i32
      %dma_start3A_42 = tpu.memref_slice %arg2[%add3A, %run_scoped3A, %dma_start3A_40, %dma_start3A_41] : memref<32x2x40x128xi32, #tpu.memory_space<hbm>> -> memref<1x1x40x128xi32, #tpu.memory_space<hbm>>
      %dma_start3A_43 = tpu.memref_squeeze %dma_start3A_42 : memref<1x1x40x128xi32, #tpu.memory_space<hbm>> -> memref<40x128xi32, #tpu.memory_space<hbm>>
      tpu.enqueue_dma source(%dma_start3A_43 : memref<40x128xi32, #tpu.memory_space<hbm>>) target(%arg7 : memref<40x128xi32, #tpu.memory_space<vmem>>) target_semaphore(%run_scoped3A_35 : memref<!tpu.dma_semaphore, #tpu.memory_space<semaphore_mem>>)
      %dma_wait3A = arith.constant 0 : i32
      %dma_wait3A_44 = arith.constant 0 : i32
      %dma_wait3A_45 = tpu.memref_slice %arg2[%add3A, %run_scoped3A, %dma_wait3A, %dma_wait3A_44] : memref<32x2x40x128xi32, #tpu.memory_space<hbm>> -> memref<1x1x40x128xi32, #tpu.memory_space<hbm>>
      %dma_wait3A_46 = tpu.memref_squeeze %dma_wait3A_45 : memref<1x1x40x128xi32, #tpu.memory_space<hbm>> -> memref<40x128xi32, #tpu.memory_space<hbm>>
      %dma_wait3A_47 = arith.constant 0 : i32
      %dma_wait3A_48 = arith.constant 0 : i32
      %dma_wait3A_49 = tpu.memref_slice %arg2[%add3A, %run_scoped3A, %dma_wait3A_47, %dma_wait3A_48] : memref<32x2x40x128xi32, #tpu.memory_space<hbm>> -> memref<1x1x40x128xi32, #tpu.memory_space<hbm>>
      %dma_wait3A_50 = tpu.memref_squeeze %dma_wait3A_49 : memref<1x1x40x128xi32, #tpu.memory_space<hbm>> -> memref<40x128xi32, #tpu.memory_space<hbm>>
      tpu.wait_dma2 semaphore(%run_scoped3A_35 : memref<!tpu.dma_semaphore, #tpu.memory_space<semaphore_mem>>) src(%dma_wait3A_50 : memref<40x128xi32, #tpu.memory_space<hbm>>) dst(%arg7 : memref<40x128xi32, #tpu.memory_space<vmem>>)
      tpu.yield
    }) : () -> ()
    %run_scoped3A_3 = arith.constant 0 : i32
    "tpu.region"() ({
      %run_scoped3A_35 = tpu.sem_alloc : memref<!tpu.dma_semaphore, #tpu.memory_space<semaphore_mem>>
      %dma_start3A_36 = arith.constant 0 : i32
      %dma_start3A_37 = arith.constant 0 : i32
      %dma_start3A_38 = tpu.memref_slice %arg3[%add3A, %run_scoped3A_3, %dma_start3A_36, %dma_start3A_37] : memref<32x2x40x128xi32, #tpu.memory_space<hbm>> -> memref<1x1x40x128xi32, #tpu.memory_space<hbm>>
      %dma_start3A_39 = tpu.memref_squeeze %dma_start3A_38 : memref<1x1x40x128xi32, #tpu.memory_space<hbm>> -> memref<40x128xi32, #tpu.memory_space<hbm>>
      %dma_start3A_40 = arith.constant 0 : i32
      %dma_start3A_41 = arith.constant 0 : i32
      %dma_start3A_42 = tpu.memref_slice %arg3[%add3A, %run_scoped3A_3, %dma_start3A_40, %dma_start3A_41] : memref<32x2x40x128xi32, #tpu.memory_space<hbm>> -> memref<1x1x40x128xi32, #tpu.memory_space<hbm>>
      %dma_start3A_43 = tpu.memref_squeeze %dma_start3A_42 : memref<1x1x40x128xi32, #tpu.memory_space<hbm>> -> memref<40x128xi32, #tpu.memory_space<hbm>>
      tpu.enqueue_dma source(%dma_start3A_43 : memref<40x128xi32, #tpu.memory_space<hbm>>) target(%arg8 : memref<40x128xi32, #tpu.memory_space<vmem>>) target_semaphore(%run_scoped3A_35 : memref<!tpu.dma_semaphore, #tpu.memory_space<semaphore_mem>>)
      %dma_wait3A = arith.constant 0 : i32
      %dma_wait3A_44 = arith.constant 0 : i32
      %dma_wait3A_45 = tpu.memref_slice %arg3[%add3A, %run_scoped3A_3, %dma_wait3A, %dma_wait3A_44] : memref<32x2x40x128xi32, #tpu.memory_space<hbm>> -> memref<1x1x40x128xi32, #tpu.memory_space<hbm>>
      %dma_wait3A_46 = tpu.memref_squeeze %dma_wait3A_45 : memref<1x1x40x128xi32, #tpu.memory_space<hbm>> -> memref<40x128xi32, #tpu.memory_space<hbm>>
      %dma_wait3A_47 = arith.constant 0 : i32
      %dma_wait3A_48 = arith.constant 0 : i32
      %dma_wait3A_49 = tpu.memref_slice %arg3[%add3A, %run_scoped3A_3, %dma_wait3A_47, %dma_wait3A_48] : memref<32x2x40x128xi32, #tpu.memory_space<hbm>> -> memref<1x1x40x128xi32, #tpu.memory_space<hbm>>
      %dma_wait3A_50 = tpu.memref_squeeze %dma_wait3A_49 : memref<1x1x40x128xi32, #tpu.memory_space<hbm>> -> memref<40x128xi32, #tpu.memory_space<hbm>>
      tpu.wait_dma2 semaphore(%run_scoped3A_35 : memref<!tpu.dma_semaphore, #tpu.memory_space<semaphore_mem>>) src(%dma_wait3A_50 : memref<40x128xi32, #tpu.memory_space<hbm>>) dst(%arg8 : memref<40x128xi32, #tpu.memory_space<vmem>>)
      tpu.yield
    }) : () -> ()
    %dma_start3A = arith.constant 0 : i32
    %dma_start3A_4 = arith.constant 0 : i32
    %dma_start3A_5 = tpu.memref_slice %arg7[%dma_start3A, %dma_start3A_4] : memref<40x128xi32, #tpu.memory_space<vmem>> -> memref<1x128xi32, #tpu.memory_space<vmem>>
    %dma_start3A_6 = tpu.memref_squeeze %dma_start3A_5 : memref<1x128xi32, #tpu.memory_space<vmem>> -> memref<128xi32, #tpu.memory_space<vmem>>
    %dma_start3A_7 = arith.constant 0 : i32
    %dma_start3A_8 = arith.constant 0 : i32
    %dma_start3A_9 = tpu.memref_slice %arg4[%dma_start3A_7, %dma_start3A_8] : memref<10240x128xf32, #tpu.memory_space<hbm>> -> memref<10240x128xf32, #tpu.memory_space<hbm>>
    tpu.enqueue_indirect_dma source(%dma_start3A_9 : memref<10240x128xf32, #tpu.memory_space<hbm>>) target(%arg9 : memref<128x128xf32, #tpu.memory_space<vmem>>) offsets(%dma_start3A_6 : memref<128xi32, #tpu.memory_space<vmem>>) semaphore(%arg12 : memref<!tpu.dma_semaphore, #tpu.memory_space<semaphore_mem>>)
    %scan3A = arith.constant 0 : i32
    %scan3A_10 = arith.constant 0 : i32
    %scan3A_11 = arith.constant 20 : i32
    %scan3A_12 = arith.addi %scan3A_10, %scan3A_11 : i32
    %scan3A_13 = arith.constant 1 : i32
    scf.for %scan3A_35 = %scan3A_10 to %scan3A_12 step %scan3A_13  : i32 {
      %mul3A_36 = arith.constant 2 : i32
      %mul3A_37 = arith.muli %scan3A_35, %mul3A_36 : i32
      %dma_wait3A = arith.constant 0 : i32
      %dma_wait3A_38 = arith.constant 0 : i32
      %dma_wait3A_39 = tpu.memref_slice %arg7[%dma_wait3A, %dma_wait3A_38] : memref<40x128xi32, #tpu.memory_space<vmem>> -> memref<1x128xi32, #tpu.memory_space<vmem>>
      %dma_wait3A_40 = tpu.memref_squeeze %dma_wait3A_39 : memref<1x128xi32, #tpu.memory_space<vmem>> -> memref<128xi32, #tpu.memory_space<vmem>>
      %dma_wait3A_41 = arith.constant 0 : i32
      %dma_wait3A_42 = arith.constant 0 : i32
      %dma_wait3A_43 = tpu.memref_slice %arg4[%dma_wait3A_41, %dma_wait3A_42] : memref<10240x128xf32, #tpu.memory_space<hbm>> -> memref<10240x128xf32, #tpu.memory_space<hbm>>
      tpu.wait_indirect_dma semaphore(%arg12 : memref<!tpu.dma_semaphore, #tpu.memory_space<semaphore_mem>>) src(%dma_wait3A_43 : memref<10240x128xf32, #tpu.memory_space<hbm>>) dst(%arg9 : memref<128x128xf32, #tpu.memory_space<vmem>>)
      %add3A_44 = arith.constant 1 : i32
      %add3A_45 = arith.addi %mul3A_37, %add3A_44 : i32
      %dma_start3A_46 = arith.constant 0 : i32
      %dma_start3A_47 = tpu.memref_slice %arg7[%add3A_45, %dma_start3A_46] : memref<40x128xi32, #tpu.memory_space<vmem>> -> memref<1x128xi32, #tpu.memory_space<vmem>>
      %dma_start3A_48 = tpu.memref_squeeze %dma_start3A_47 : memref<1x128xi32, #tpu.memory_space<vmem>> -> memref<128xi32, #tpu.memory_space<vmem>>
      %dma_start3A_49 = arith.constant 0 : i32
      %dma_start3A_50 = arith.constant 0 : i32
      %dma_start3A_51 = tpu.memref_slice %arg4[%dma_start3A_49, %dma_start3A_50] : memref<10240x128xf32, #tpu.memory_space<hbm>> -> memref<10240x128xf32, #tpu.memory_space<hbm>>
      tpu.enqueue_indirect_dma source(%dma_start3A_51 : memref<10240x128xf32, #tpu.memory_space<hbm>>) target(%arg10 : memref<128x128xf32, #tpu.memory_space<vmem>>) offsets(%dma_start3A_48 : memref<128xi32, #tpu.memory_space<vmem>>) semaphore(%arg13 : memref<!tpu.dma_semaphore, #tpu.memory_space<semaphore_mem>>)
      "tpu.region"() ({
        %run_scoped3A_63 = tpu.sem_alloc : memref<!tpu.dma_semaphore, #tpu.memory_space<semaphore_mem>>
        %dma_start3A_64 = arith.constant 0 : i32
        %dma_start3A_65 = tpu.memref_slice %arg8[%mul3A_37, %dma_start3A_64] : memref<40x128xi32, #tpu.memory_space<vmem>> -> memref<1x128xi32, #tpu.memory_space<vmem>>
        %dma_start3A_66 = tpu.memref_squeeze %dma_start3A_65 : memref<1x128xi32, #tpu.memory_space<vmem>> -> memref<128xi32, #tpu.memory_space<vmem>>
        %dma_start3A_67 = arith.constant 0 : i32
        %dma_start3A_68 = arith.constant 0 : i32
        %dma_start3A_69 = tpu.memref_slice %arg11[%dma_start3A_67, %dma_start3A_68] : memref<10240x128xf32, #tpu.memory_space<vmem_shared>> -> memref<10240x128xf32, #tpu.memory_space<vmem_shared>>
        tpu.enqueue_indirect_dma source(%arg9 : memref<128x128xf32, #tpu.memory_space<vmem>>) target(%dma_start3A_69 : memref<10240x128xf32, #tpu.memory_space<vmem_shared>>) offsets(%dma_start3A_66 : memref<128xi32, #tpu.memory_space<vmem>>) semaphore(%run_scoped3A_63 : memref<!tpu.dma_semaphore, #tpu.memory_space<semaphore_mem>>) {add = true}
        %dma_wait3A_70 = arith.constant 0 : i32
        %dma_wait3A_71 = tpu.memref_slice %arg8[%mul3A_37, %dma_wait3A_70] : memref<40x128xi32, #tpu.memory_space<vmem>> -> memref<1x128xi32, #tpu.memory_space<vmem>>
        %dma_wait3A_72 = tpu.memref_squeeze %dma_wait3A_71 : memref<1x128xi32, #tpu.memory_space<vmem>> -> memref<128xi32, #tpu.memory_space<vmem>>
        %dma_wait3A_73 = arith.constant 0 : i32
        %dma_wait3A_74 = arith.constant 0 : i32
        %dma_wait3A_75 = tpu.memref_slice %arg11[%dma_wait3A_73, %dma_wait3A_74] : memref<10240x128xf32, #tpu.memory_space<vmem_shared>> -> memref<10240x128xf32, #tpu.memory_space<vmem_shared>>
        tpu.wait_indirect_dma semaphore(%run_scoped3A_63 : memref<!tpu.dma_semaphore, #tpu.memory_space<semaphore_mem>>) src(%arg9 : memref<128x128xf32, #tpu.memory_space<vmem>>) dst(%dma_wait3A_75 : memref<10240x128xf32, #tpu.memory_space<vmem_shared>>)
        tpu.yield
      }) : () -> ()
      %dma_wait3A_52 = arith.constant 0 : i32
      %dma_wait3A_53 = arith.constant 0 : i32
      %dma_wait3A_54 = tpu.memref_slice %arg7[%dma_wait3A_52, %dma_wait3A_53] : memref<40x128xi32, #tpu.memory_space<vmem>> -> memref<1x128xi32, #tpu.memory_space<vmem>>
      %dma_wait3A_55 = tpu.memref_squeeze %dma_wait3A_54 : memref<1x128xi32, #tpu.memory_space<vmem>> -> memref<128xi32, #tpu.memory_space<vmem>>
      %dma_wait3A_56 = arith.constant 0 : i32
      %dma_wait3A_57 = arith.constant 0 : i32
      %dma_wait3A_58 = tpu.memref_slice %arg4[%dma_wait3A_56, %dma_wait3A_57] : memref<10240x128xf32, #tpu.memory_space<hbm>> -> memref<10240x128xf32, #tpu.memory_space<hbm>>
      tpu.wait_indirect_dma semaphore(%arg13 : memref<!tpu.dma_semaphore, #tpu.memory_space<semaphore_mem>>) src(%dma_wait3A_58 : memref<10240x128xf32, #tpu.memory_space<hbm>>) dst(%arg10 : memref<128x128xf32, #tpu.memory_space<vmem>>)
      %lt3A = arith.constant 19 : i32
      %lt3A_59 = arith.cmpi slt, %scan3A_35, %lt3A : i32
      %convert_element_type3A = arith.extui %lt3A_59 : i1 to i32
      %cond3A = arith.constant 0 : i32
      %cond3A_60 = arith.cmpi ne, %convert_element_type3A, %cond3A : i32
      scf.if %cond3A_60 {
        %add3A_63 = arith.constant 2 : i32
        %add3A_64 = arith.addi %mul3A_37, %add3A_63 : i32
        %dma_start3A_65 = arith.constant 0 : i32
        %dma_start3A_66 = tpu.memref_slice %arg7[%add3A_64, %dma_start3A_65] : memref<40x128xi32, #tpu.memory_space<vmem>> -> memref<1x128xi32, #tpu.memory_space<vmem>>
        %dma_start3A_67 = tpu.memref_squeeze %dma_start3A_66 : memref<1x128xi32, #tpu.memory_space<vmem>> -> memref<128xi32, #tpu.memory_space<vmem>>
        %dma_start3A_68 = arith.constant 0 : i32
        %dma_start3A_69 = arith.constant 0 : i32
        %dma_start3A_70 = tpu.memref_slice %arg4[%dma_start3A_68, %dma_start3A_69] : memref<10240x128xf32, #tpu.memory_space<hbm>> -> memref<10240x128xf32, #tpu.memory_space<hbm>>
        tpu.enqueue_indirect_dma source(%dma_start3A_70 : memref<10240x128xf32, #tpu.memory_space<hbm>>) target(%arg9 : memref<128x128xf32, #tpu.memory_space<vmem>>) offsets(%dma_start3A_67 : memref<128xi32, #tpu.memory_space<vmem>>) semaphore(%arg12 : memref<!tpu.dma_semaphore, #tpu.memory_space<semaphore_mem>>)
      } else {
      }
      %add3A_61 = arith.constant 1 : i32
      %add3A_62 = arith.addi %mul3A_37, %add3A_61 : i32
      "tpu.region"() ({
        %run_scoped3A_63 = tpu.sem_alloc : memref<!tpu.dma_semaphore, #tpu.memory_space<semaphore_mem>>
        %dma_start3A_64 = arith.constant 0 : i32
        %dma_start3A_65 = tpu.memref_slice %arg8[%add3A_62, %dma_start3A_64] : memref<40x128xi32, #tpu.memory_space<vmem>> -> memref<1x128xi32, #tpu.memory_space<vmem>>
        %dma_start3A_66 = tpu.memref_squeeze %dma_start3A_65 : memref<1x128xi32, #tpu.memory_space<vmem>> -> memref<128xi32, #tpu.memory_space<vmem>>
        %dma_start3A_67 = arith.constant 0 : i32
        %dma_start3A_68 = arith.constant 0 : i32
        %dma_start3A_69 = tpu.memref_slice %arg11[%dma_start3A_67, %dma_start3A_68] : memref<10240x128xf32, #tpu.memory_space<vmem_shared>> -> memref<10240x128xf32, #tpu.memory_space<vmem_shared>>
        tpu.enqueue_indirect_dma source(%arg10 : memref<128x128xf32, #tpu.memory_space<vmem>>) target(%dma_start3A_69 : memref<10240x128xf32, #tpu.memory_space<vmem_shared>>) offsets(%dma_start3A_66 : memref<128xi32, #tpu.memory_space<vmem>>) semaphore(%run_scoped3A_63 : memref<!tpu.dma_semaphore, #tpu.memory_space<semaphore_mem>>) {add = true}
        %dma_wait3A_70 = arith.constant 0 : i32
        %dma_wait3A_71 = tpu.memref_slice %arg8[%add3A_62, %dma_wait3A_70] : memref<40x128xi32, #tpu.memory_space<vmem>> -> memref<1x128xi32, #tpu.memory_space<vmem>>
        %dma_wait3A_72 = tpu.memref_squeeze %dma_wait3A_71 : memref<1x128xi32, #tpu.memory_space<vmem>> -> memref<128xi32, #tpu.memory_space<vmem>>
        %dma_wait3A_73 = arith.constant 0 : i32
        %dma_wait3A_74 = arith.constant 0 : i32
        %dma_wait3A_75 = tpu.memref_slice %arg11[%dma_wait3A_73, %dma_wait3A_74] : memref<10240x128xf32, #tpu.memory_space<vmem_shared>> -> memref<10240x128xf32, #tpu.memory_space<vmem_shared>>
        tpu.wait_indirect_dma semaphore(%run_scoped3A_63 : memref<!tpu.dma_semaphore, #tpu.memory_space<semaphore_mem>>) src(%arg10 : memref<128x128xf32, #tpu.memory_space<vmem>>) dst(%dma_wait3A_75 : memref<10240x128xf32, #tpu.memory_space<vmem_shared>>)
        tpu.yield
      }) : () -> ()
    }
    %scan3A_14 = arith.constant 20 : i32
    %run_scoped3A_15 = arith.constant 1 : i32
    "tpu.region"() ({
      %run_scoped3A_35 = tpu.sem_alloc : memref<!tpu.dma_semaphore, #tpu.memory_space<semaphore_mem>>
      %dma_start3A_36 = arith.constant 0 : i32
      %dma_start3A_37 = arith.constant 0 : i32
      %dma_start3A_38 = tpu.memref_slice %arg2[%add3A, %run_scoped3A_15, %dma_start3A_36, %dma_start3A_37] : memref<32x2x40x128xi32, #tpu.memory_space<hbm>> -> memref<1x1x40x128xi32, #tpu.memory_space<hbm>>
      %dma_start3A_39 = tpu.memref_squeeze %dma_start3A_38 : memref<1x1x40x128xi32, #tpu.memory_space<hbm>> -> memref<40x128xi32, #tpu.memory_space<hbm>>
      %dma_start3A_40 = arith.constant 0 : i32
      %dma_start3A_41 = arith.constant 0 : i32
      %dma_start3A_42 = tpu.memref_slice %arg2[%add3A, %run_scoped3A_15, %dma_start3A_40, %dma_start3A_41] : memref<32x2x40x128xi32, #tpu.memory_space<hbm>> -> memref<1x1x40x128xi32, #tpu.memory_space<hbm>>
      %dma_start3A_43 = tpu.memref_squeeze %dma_start3A_42 : memref<1x1x40x128xi32, #tpu.memory_space<hbm>> -> memref<40x128xi32, #tpu.memory_space<hbm>>
      tpu.enqueue_dma source(%dma_start3A_43 : memref<40x128xi32, #tpu.memory_space<hbm>>) target(%arg7 : memref<40x128xi32, #tpu.memory_space<vmem>>) target_semaphore(%run_scoped3A_35 : memref<!tpu.dma_semaphore, #tpu.memory_space<semaphore_mem>>)
      %dma_wait3A = arith.constant 0 : i32
      %dma_wait3A_44 = arith.constant 0 : i32
      %dma_wait3A_45 = tpu.memref_slice %arg2[%add3A, %run_scoped3A_15, %dma_wait3A, %dma_wait3A_44] : memref<32x2x40x128xi32, #tpu.memory_space<hbm>> -> memref<1x1x40x128xi32, #tpu.memory_space<hbm>>
      %dma_wait3A_46 = tpu.memref_squeeze %dma_wait3A_45 : memref<1x1x40x128xi32, #tpu.memory_space<hbm>> -> memref<40x128xi32, #tpu.memory_space<hbm>>
      %dma_wait3A_47 = arith.constant 0 : i32
      %dma_wait3A_48 = arith.constant 0 : i32
      %dma_wait3A_49 = tpu.memref_slice %arg2[%add3A, %run_scoped3A_15, %dma_wait3A_47, %dma_wait3A_48] : memref<32x2x40x128xi32, #tpu.memory_space<hbm>> -> memref<1x1x40x128xi32, #tpu.memory_space<hbm>>
      %dma_wait3A_50 = tpu.memref_squeeze %dma_wait3A_49 : memref<1x1x40x128xi32, #tpu.memory_space<hbm>> -> memref<40x128xi32, #tpu.memory_space<hbm>>
      tpu.wait_dma2 semaphore(%run_scoped3A_35 : memref<!tpu.dma_semaphore, #tpu.memory_space<semaphore_mem>>) src(%dma_wait3A_50 : memref<40x128xi32, #tpu.memory_space<hbm>>) dst(%arg7 : memref<40x128xi32, #tpu.memory_space<vmem>>)
      tpu.yield
    }) : () -> ()
    %run_scoped3A_16 = arith.constant 1 : i32
    "tpu.region"() ({
      %run_scoped3A_35 = tpu.sem_alloc : memref<!tpu.dma_semaphore, #tpu.memory_space<semaphore_mem>>
      %dma_start3A_36 = arith.constant 0 : i32
      %dma_start3A_37 = arith.constant 0 : i32
      %dma_start3A_38 = tpu.memref_slice %arg3[%add3A, %run_scoped3A_16, %dma_start3A_36, %dma_start3A_37] : memref<32x2x40x128xi32, #tpu.memory_space<hbm>> -> memref<1x1x40x128xi32, #tpu.memory_space<hbm>>
      %dma_start3A_39 = tpu.memref_squeeze %dma_start3A_38 : memref<1x1x40x128xi32, #tpu.memory_space<hbm>> -> memref<40x128xi32, #tpu.memory_space<hbm>>
      %dma_start3A_40 = arith.constant 0 : i32
      %dma_start3A_41 = arith.constant 0 : i32
      %dma_start3A_42 = tpu.memref_slice %arg3[%add3A, %run_scoped3A_16, %dma_start3A_40, %dma_start3A_41] : memref<32x2x40x128xi32, #tpu.memory_space<hbm>> -> memref<1x1x40x128xi32, #tpu.memory_space<hbm>>
      %dma_start3A_43 = tpu.memref_squeeze %dma_start3A_42 : memref<1x1x40x128xi32, #tpu.memory_space<hbm>> -> memref<40x128xi32, #tpu.memory_space<hbm>>
      tpu.enqueue_dma source(%dma_start3A_43 : memref<40x128xi32, #tpu.memory_space<hbm>>) target(%arg8 : memref<40x128xi32, #tpu.memory_space<vmem>>) target_semaphore(%run_scoped3A_35 : memref<!tpu.dma_semaphore, #tpu.memory_space<semaphore_mem>>)
      %dma_wait3A = arith.constant 0 : i32
      %dma_wait3A_44 = arith.constant 0 : i32
      %dma_wait3A_45 = tpu.memref_slice %arg3[%add3A, %run_scoped3A_16, %dma_wait3A, %dma_wait3A_44] : memref<32x2x40x128xi32, #tpu.memory_space<hbm>> -> memref<1x1x40x128xi32, #tpu.memory_space<hbm>>
      %dma_wait3A_46 = tpu.memref_squeeze %dma_wait3A_45 : memref<1x1x40x128xi32, #tpu.memory_space<hbm>> -> memref<40x128xi32, #tpu.memory_space<hbm>>
      %dma_wait3A_47 = arith.constant 0 : i32
      %dma_wait3A_48 = arith.constant 0 : i32
      %dma_wait3A_49 = tpu.memref_slice %arg3[%add3A, %run_scoped3A_16, %dma_wait3A_47, %dma_wait3A_48] : memref<32x2x40x128xi32, #tpu.memory_space<hbm>> -> memref<1x1x40x128xi32, #tpu.memory_space<hbm>>
      %dma_wait3A_50 = tpu.memref_squeeze %dma_wait3A_49 : memref<1x1x40x128xi32, #tpu.memory_space<hbm>> -> memref<40x128xi32, #tpu.memory_space<hbm>>
      tpu.wait_dma2 semaphore(%run_scoped3A_35 : memref<!tpu.dma_semaphore, #tpu.memory_space<semaphore_mem>>) src(%dma_wait3A_50 : memref<40x128xi32, #tpu.memory_space<hbm>>) dst(%arg8 : memref<40x128xi32, #tpu.memory_space<vmem>>)
      tpu.yield
    }) : () -> ()
    %dma_start3A_17 = arith.constant 0 : i32
    %dma_start3A_18 = arith.constant 0 : i32
    %dma_start3A_19 = tpu.memref_slice %arg7[%dma_start3A_17, %dma_start3A_18] : memref<40x128xi32, #tpu.memory_space<vmem>> -> memref<1x128xi32, #tpu.memory_space<vmem>>
    %dma_start3A_20 = tpu.memref_squeeze %dma_start3A_19 : memref<1x128xi32, #tpu.memory_space<vmem>> -> memref<128xi32, #tpu.memory_space<vmem>>
    %dma_start3A_21 = arith.constant 0 : i32
    %dma_start3A_22 = arith.constant 0 : i32
    %dma_start3A_23 = tpu.memref_slice %arg4[%dma_start3A_21, %dma_start3A_22] : memref<10240x128xf32, #tpu.memory_space<hbm>> -> memref<10240x128xf32, #tpu.memory_space<hbm>>
    tpu.enqueue_indirect_dma source(%dma_start3A_23 : memref<10240x128xf32, #tpu.memory_space<hbm>>) target(%arg9 : memref<128x128xf32, #tpu.memory_space<vmem>>) offsets(%dma_start3A_20 : memref<128xi32, #tpu.memory_space<vmem>>) semaphore(%arg12 : memref<!tpu.dma_semaphore, #tpu.memory_space<semaphore_mem>>)
    %scan3A_24 = arith.constant 0 : i32
    %scan3A_25 = arith.constant 0 : i32
    %scan3A_26 = arith.constant 20 : i32
    %scan3A_27 = arith.addi %scan3A_25, %scan3A_26 : i32
    %scan3A_28 = arith.constant 1 : i32
    scf.for %scan3A_35 = %scan3A_25 to %scan3A_27 step %scan3A_28  : i32 {
      %mul3A_36 = arith.constant 2 : i32
      %mul3A_37 = arith.muli %scan3A_35, %mul3A_36 : i32
      %dma_wait3A = arith.constant 0 : i32
      %dma_wait3A_38 = arith.constant 0 : i32
      %dma_wait3A_39 = tpu.memref_slice %arg7[%dma_wait3A, %dma_wait3A_38] : memref<40x128xi32, #tpu.memory_space<vmem>> -> memref<1x128xi32, #tpu.memory_space<vmem>>
      %dma_wait3A_40 = tpu.memref_squeeze %dma_wait3A_39 : memref<1x128xi32, #tpu.memory_space<vmem>> -> memref<128xi32, #tpu.memory_space<vmem>>
      %dma_wait3A_41 = arith.constant 0 : i32
      %dma_wait3A_42 = arith.constant 0 : i32
      %dma_wait3A_43 = tpu.memref_slice %arg4[%dma_wait3A_41, %dma_wait3A_42] : memref<10240x128xf32, #tpu.memory_space<hbm>> -> memref<10240x128xf32, #tpu.memory_space<hbm>>
      tpu.wait_indirect_dma semaphore(%arg12 : memref<!tpu.dma_semaphore, #tpu.memory_space<semaphore_mem>>) src(%dma_wait3A_43 : memref<10240x128xf32, #tpu.memory_space<hbm>>) dst(%arg9 : memref<128x128xf32, #tpu.memory_space<vmem>>)
      %add3A_44 = arith.constant 1 : i32
      %add3A_45 = arith.addi %mul3A_37, %add3A_44 : i32
      %dma_start3A_46 = arith.constant 0 : i32
      %dma_start3A_47 = tpu.memref_slice %arg7[%add3A_45, %dma_start3A_46] : memref<40x128xi32, #tpu.memory_space<vmem>> -> memref<1x128xi32, #tpu.memory_space<vmem>>
      %dma_start3A_48 = tpu.memref_squeeze %dma_start3A_47 : memref<1x128xi32, #tpu.memory_space<vmem>> -> memref<128xi32, #tpu.memory_space<vmem>>
      %dma_start3A_49 = arith.constant 0 : i32
      %dma_start3A_50 = arith.constant 0 : i32
      %dma_start3A_51 = tpu.memref_slice %arg4[%dma_start3A_49, %dma_start3A_50] : memref<10240x128xf32, #tpu.memory_space<hbm>> -> memref<10240x128xf32, #tpu.memory_space<hbm>>
      tpu.enqueue_indirect_dma source(%dma_start3A_51 : memref<10240x128xf32, #tpu.memory_space<hbm>>) target(%arg10 : memref<128x128xf32, #tpu.memory_space<vmem>>) offsets(%dma_start3A_48 : memref<128xi32, #tpu.memory_space<vmem>>) semaphore(%arg13 : memref<!tpu.dma_semaphore, #tpu.memory_space<semaphore_mem>>)
      "tpu.region"() ({
        %run_scoped3A_63 = tpu.sem_alloc : memref<!tpu.dma_semaphore, #tpu.memory_space<semaphore_mem>>
        %dma_start3A_64 = arith.constant 0 : i32
        %dma_start3A_65 = tpu.memref_slice %arg8[%mul3A_37, %dma_start3A_64] : memref<40x128xi32, #tpu.memory_space<vmem>> -> memref<1x128xi32, #tpu.memory_space<vmem>>
        %dma_start3A_66 = tpu.memref_squeeze %dma_start3A_65 : memref<1x128xi32, #tpu.memory_space<vmem>> -> memref<128xi32, #tpu.memory_space<vmem>>
        %dma_start3A_67 = arith.constant 0 : i32
        %dma_start3A_68 = arith.constant 0 : i32
        %dma_start3A_69 = tpu.memref_slice %arg11[%dma_start3A_67, %dma_start3A_68] : memref<10240x128xf32, #tpu.memory_space<vmem_shared>> -> memref<10240x128xf32, #tpu.memory_space<vmem_shared>>
        tpu.enqueue_indirect_dma source(%arg9 : memref<128x128xf32, #tpu.memory_space<vmem>>) target(%dma_start3A_69 : memref<10240x128xf32, #tpu.memory_space<vmem_shared>>) offsets(%dma_start3A_66 : memref<128xi32, #tpu.memory_space<vmem>>) semaphore(%run_scoped3A_63 : memref<!tpu.dma_semaphore, #tpu.memory_space<semaphore_mem>>) {add = true}
        %dma_wait3A_70 = arith.constant 0 : i32
        %dma_wait3A_71 = tpu.memref_slice %arg8[%mul3A_37, %dma_wait3A_70] : memref<40x128xi32, #tpu.memory_space<vmem>> -> memref<1x128xi32, #tpu.memory_space<vmem>>
        %dma_wait3A_72 = tpu.memref_squeeze %dma_wait3A_71 : memref<1x128xi32, #tpu.memory_space<vmem>> -> memref<128xi32, #tpu.memory_space<vmem>>
        %dma_wait3A_73 = arith.constant 0 : i32
        %dma_wait3A_74 = arith.constant 0 : i32
        %dma_wait3A_75 = tpu.memref_slice %arg11[%dma_wait3A_73, %dma_wait3A_74] : memref<10240x128xf32, #tpu.memory_space<vmem_shared>> -> memref<10240x128xf32, #tpu.memory_space<vmem_shared>>
        tpu.wait_indirect_dma semaphore(%run_scoped3A_63 : memref<!tpu.dma_semaphore, #tpu.memory_space<semaphore_mem>>) src(%arg9 : memref<128x128xf32, #tpu.memory_space<vmem>>) dst(%dma_wait3A_75 : memref<10240x128xf32, #tpu.memory_space<vmem_shared>>)
        tpu.yield
      }) : () -> ()
      %dma_wait3A_52 = arith.constant 0 : i32
      %dma_wait3A_53 = arith.constant 0 : i32
      %dma_wait3A_54 = tpu.memref_slice %arg7[%dma_wait3A_52, %dma_wait3A_53] : memref<40x128xi32, #tpu.memory_space<vmem>> -> memref<1x128xi32, #tpu.memory_space<vmem>>
      %dma_wait3A_55 = tpu.memref_squeeze %dma_wait3A_54 : memref<1x128xi32, #tpu.memory_space<vmem>> -> memref<128xi32, #tpu.memory_space<vmem>>
      %dma_wait3A_56 = arith.constant 0 : i32
      %dma_wait3A_57 = arith.constant 0 : i32
      %dma_wait3A_58 = tpu.memref_slice %arg4[%dma_wait3A_56, %dma_wait3A_57] : memref<10240x128xf32, #tpu.memory_space<hbm>> -> memref<10240x128xf32, #tpu.memory_space<hbm>>
      tpu.wait_indirect_dma semaphore(%arg13 : memref<!tpu.dma_semaphore, #tpu.memory_space<semaphore_mem>>) src(%dma_wait3A_58 : memref<10240x128xf32, #tpu.memory_space<hbm>>) dst(%arg10 : memref<128x128xf32, #tpu.memory_space<vmem>>)
      %lt3A = arith.constant 19 : i32
      %lt3A_59 = arith.cmpi slt, %scan3A_35, %lt3A : i32
      %convert_element_type3A = arith.extui %lt3A_59 : i1 to i32
      %cond3A = arith.constant 0 : i32
      %cond3A_60 = arith.cmpi ne, %convert_element_type3A, %cond3A : i32
      scf.if %cond3A_60 {
        %add3A_63 = arith.constant 2 : i32
        %add3A_64 = arith.addi %mul3A_37, %add3A_63 : i32
        %dma_start3A_65 = arith.constant 0 : i32
        %dma_start3A_66 = tpu.memref_slice %arg7[%add3A_64, %dma_start3A_65] : memref<40x128xi32, #tpu.memory_space<vmem>> -> memref<1x128xi32, #tpu.memory_space<vmem>>
        %dma_start3A_67 = tpu.memref_squeeze %dma_start3A_66 : memref<1x128xi32, #tpu.memory_space<vmem>> -> memref<128xi32, #tpu.memory_space<vmem>>
        %dma_start3A_68 = arith.constant 0 : i32
        %dma_start3A_69 = arith.constant 0 : i32
        %dma_start3A_70 = tpu.memref_slice %arg4[%dma_start3A_68, %dma_start3A_69] : memref<10240x128xf32, #tpu.memory_space<hbm>> -> memref<10240x128xf32, #tpu.memory_space<hbm>>
        tpu.enqueue_indirect_dma source(%dma_start3A_70 : memref<10240x128xf32, #tpu.memory_space<hbm>>) target(%arg9 : memref<128x128xf32, #tpu.memory_space<vmem>>) offsets(%dma_start3A_67 : memref<128xi32, #tpu.memory_space<vmem>>) semaphore(%arg12 : memref<!tpu.dma_semaphore, #tpu.memory_space<semaphore_mem>>)
      } else {
      }
      %add3A_61 = arith.constant 1 : i32
      %add3A_62 = arith.addi %mul3A_37, %add3A_61 : i32
      "tpu.region"() ({
        %run_scoped3A_63 = tpu.sem_alloc : memref<!tpu.dma_semaphore, #tpu.memory_space<semaphore_mem>>
        %dma_start3A_64 = arith.constant 0 : i32
        %dma_start3A_65 = tpu.memref_slice %arg8[%add3A_62, %dma_start3A_64] : memref<40x128xi32, #tpu.memory_space<vmem>> -> memref<1x128xi32, #tpu.memory_space<vmem>>
        %dma_start3A_66 = tpu.memref_squeeze %dma_start3A_65 : memref<1x128xi32, #tpu.memory_space<vmem>> -> memref<128xi32, #tpu.memory_space<vmem>>
        %dma_start3A_67 = arith.constant 0 : i32
        %dma_start3A_68 = arith.constant 0 : i32
        %dma_start3A_69 = tpu.memref_slice %arg11[%dma_start3A_67, %dma_start3A_68] : memref<10240x128xf32, #tpu.memory_space<vmem_shared>> -> memref<10240x128xf32, #tpu.memory_space<vmem_shared>>
        tpu.enqueue_indirect_dma source(%arg10 : memref<128x128xf32, #tpu.memory_space<vmem>>) target(%dma_start3A_69 : memref<10240x128xf32, #tpu.memory_space<vmem_shared>>) offsets(%dma_start3A_66 : memref<128xi32, #tpu.memory_space<vmem>>) semaphore(%run_scoped3A_63 : memref<!tpu.dma_semaphore, #tpu.memory_space<semaphore_mem>>) {add = true}
        %dma_wait3A_70 = arith.constant 0 : i32
        %dma_wait3A_71 = tpu.memref_slice %arg8[%add3A_62, %dma_wait3A_70] : memref<40x128xi32, #tpu.memory_space<vmem>> -> memref<1x128xi32, #tpu.memory_space<vmem>>
        %dma_wait3A_72 = tpu.memref_squeeze %dma_wait3A_71 : memref<1x128xi32, #tpu.memory_space<vmem>> -> memref<128xi32, #tpu.memory_space<vmem>>
        %dma_wait3A_73 = arith.constant 0 : i32
        %dma_wait3A_74 = arith.constant 0 : i32
        %dma_wait3A_75 = tpu.memref_slice %arg11[%dma_wait3A_73, %dma_wait3A_74] : memref<10240x128xf32, #tpu.memory_space<vmem_shared>> -> memref<10240x128xf32, #tpu.memory_space<vmem_shared>>
        tpu.wait_indirect_dma semaphore(%run_scoped3A_63 : memref<!tpu.dma_semaphore, #tpu.memory_space<semaphore_mem>>) src(%arg10 : memref<128x128xf32, #tpu.memory_space<vmem>>) dst(%dma_wait3A_75 : memref<10240x128xf32, #tpu.memory_space<vmem_shared>>)
        tpu.yield
      }) : () -> ()
    }
    %scan3A_29 = arith.constant 20 : i32
    %barrier3A_30 = arith.constant 0 : index
    tpu.barrier barrier_id(%barrier3A_30)
    %mul3A_31 = arith.constant 640 : i32
    %mul3A_32 = arith.muli %arg1, %mul3A_31 : i32
    %mul3A_33 = arith.constant 640 : i32
    %mul3A_34 = arith.muli %arg1, %mul3A_33 : i32
    "tpu.region"() ({
      %run_scoped3A_35 = tpu.sem_alloc : memref<!tpu.dma_semaphore, #tpu.memory_space<semaphore_mem>>
      %dma_start3A_36 = arith.constant 0 : i32
      %dma_start3A_37 = tpu.memref_slice %arg6[%arg0, %mul3A_34, %dma_start3A_36] : memref<2x10240x128xf32, #tpu.memory_space<hbm>> -> memref<1x640x128xf32, #tpu.memory_space<hbm>>
      %dma_start3A_38 = tpu.memref_squeeze %dma_start3A_37 : memref<1x640x128xf32, #tpu.memory_space<hbm>> -> memref<640x128xf32, #tpu.memory_space<hbm>>
      %dma_start3A_39 = arith.constant 0 : i32
      %dma_start3A_40 = tpu.memref_slice %arg11[%mul3A_32, %dma_start3A_39] : memref<10240x128xf32, #tpu.memory_space<vmem_shared>> -> memref<640x128xf32, #tpu.memory_space<vmem_shared>>
      tpu.enqueue_dma source(%dma_start3A_40 : memref<640x128xf32, #tpu.memory_space<vmem_shared>>) target(%dma_start3A_38 : memref<640x128xf32, #tpu.memory_space<hbm>>) target_semaphore(%run_scoped3A_35 : memref<!tpu.dma_semaphore, #tpu.memory_space<semaphore_mem>>)
      %dma_wait3A = arith.constant 0 : i32
      %dma_wait3A_41 = tpu.memref_slice %arg6[%arg0, %mul3A_34, %dma_wait3A] : memref<2x10240x128xf32, #tpu.memory_space<hbm>> -> memref<1x640x128xf32, #tpu.memory_space<hbm>>
      %dma_wait3A_42 = tpu.memref_squeeze %dma_wait3A_41 : memref<1x640x128xf32, #tpu.memory_space<hbm>> -> memref<640x128xf32, #tpu.memory_space<hbm>>
      %dma_wait3A_43 = arith.constant 0 : i32
      %dma_wait3A_44 = tpu.memref_slice %arg11[%mul3A_32, %dma_wait3A_43] : memref<10240x128xf32, #tpu.memory_space<vmem_shared>> -> memref<640x128xf32, #tpu.memory_space<vmem_shared>>
      tpu.wait_dma2 semaphore(%run_scoped3A_35 : memref<!tpu.dma_semaphore, #tpu.memory_space<semaphore_mem>>) src(%dma_wait3A_44 : memref<640x128xf32, #tpu.memory_space<vmem_shared>>) dst(%dma_wait3A_42 : memref<640x128xf32, #tpu.memory_space<hbm>>)
      tpu.yield
    }) : () -> ()
    return
  }
}

#map = affine_map<(d0, d1) -> (0, 0, 0, 0)>
#map1 = affine_map<(d0, d1) -> (0)>
module attributes {stable_mosaic.version = 14 : i64} {
  func.func @_sc_degree(%arg0: i32, %arg1: i32, %arg2: memref<32x2x40x128xi32, #tpu.memory_space<hbm>>, %arg3: memref<327680xf32, #tpu.memory_space<hbm>>, %arg4: memref<2x40x128xi32, #tpu.memory_space<vmem>>, %arg5: memref<10240xf32, #tpu.memory_space<vmem>>) attributes {dimension_semantics = [#tpu.dimension_semantics<core_parallel>, #tpu.dimension_semantics<subcore_parallel>], iteration_bounds = array<i64: 2, 16>, scalar_prefetch = 0 : i64, scratch_operands = 2 : i64, tpu.core_type = #tpu.core_type<sc_vector_subcore>, window_params = [{transform_indices = #map}, {transform_indices = #map1}]} {
    %mul3A = arith.constant 16 : i32
    %mul3A_0 = arith.muli %arg0, %mul3A : i32
    %add3A = arith.addi %mul3A_0, %arg1 : i32
    "tpu.region"() ({
      %run_scoped3A = tpu.sem_alloc : memref<!tpu.dma_semaphore, #tpu.memory_space<semaphore_mem>>
      %dma_start3A = arith.constant 0 : i32
      %dma_start3A_23 = arith.constant 0 : i32
      %dma_start3A_24 = arith.constant 0 : i32
      %dma_start3A_25 = tpu.memref_slice %arg2[%add3A, %dma_start3A, %dma_start3A_23, %dma_start3A_24] : memref<32x2x40x128xi32, #tpu.memory_space<hbm>> -> memref<1x2x40x128xi32, #tpu.memory_space<hbm>>
      %dma_start3A_26 = tpu.memref_squeeze %dma_start3A_25 : memref<1x2x40x128xi32, #tpu.memory_space<hbm>> -> memref<2x40x128xi32, #tpu.memory_space<hbm>>
      %dma_start3A_27 = arith.constant 0 : i32
      %dma_start3A_28 = arith.constant 0 : i32
      %dma_start3A_29 = arith.constant 0 : i32
      %dma_start3A_30 = tpu.memref_slice %arg2[%add3A, %dma_start3A_27, %dma_start3A_28, %dma_start3A_29] : memref<32x2x40x128xi32, #tpu.memory_space<hbm>> -> memref<1x2x40x128xi32, #tpu.memory_space<hbm>>
      %dma_start3A_31 = tpu.memref_squeeze %dma_start3A_30 : memref<1x2x40x128xi32, #tpu.memory_space<hbm>> -> memref<2x40x128xi32, #tpu.memory_space<hbm>>
      tpu.enqueue_dma source(%dma_start3A_31 : memref<2x40x128xi32, #tpu.memory_space<hbm>>) target(%arg4 : memref<2x40x128xi32, #tpu.memory_space<vmem>>) target_semaphore(%run_scoped3A : memref<!tpu.dma_semaphore, #tpu.memory_space<semaphore_mem>>)
      %dma_wait3A = arith.constant 0 : i32
      %dma_wait3A_32 = arith.constant 0 : i32
      %dma_wait3A_33 = arith.constant 0 : i32
      %dma_wait3A_34 = tpu.memref_slice %arg2[%add3A, %dma_wait3A, %dma_wait3A_32, %dma_wait3A_33] : memref<32x2x40x128xi32, #tpu.memory_space<hbm>> -> memref<1x2x40x128xi32, #tpu.memory_space<hbm>>
      %dma_wait3A_35 = tpu.memref_squeeze %dma_wait3A_34 : memref<1x2x40x128xi32, #tpu.memory_space<hbm>> -> memref<2x40x128xi32, #tpu.memory_space<hbm>>
      %dma_wait3A_36 = arith.constant 0 : i32
      %dma_wait3A_37 = arith.constant 0 : i32
      %dma_wait3A_38 = arith.constant 0 : i32
      %dma_wait3A_39 = tpu.memref_slice %arg2[%add3A, %dma_wait3A_36, %dma_wait3A_37, %dma_wait3A_38] : memref<32x2x40x128xi32, #tpu.memory_space<hbm>> -> memref<1x2x40x128xi32, #tpu.memory_space<hbm>>
      %dma_wait3A_40 = tpu.memref_squeeze %dma_wait3A_39 : memref<1x2x40x128xi32, #tpu.memory_space<hbm>> -> memref<2x40x128xi32, #tpu.memory_space<hbm>>
      tpu.wait_dma2 semaphore(%run_scoped3A : memref<!tpu.dma_semaphore, #tpu.memory_space<semaphore_mem>>) src(%dma_wait3A_40 : memref<2x40x128xi32, #tpu.memory_space<hbm>>) dst(%arg4 : memref<2x40x128xi32, #tpu.memory_space<vmem>>)
      tpu.yield
    }) : () -> ()
    %broadcast_in_dim3A = arith.constant 0.000000e+00 : f32
    %broadcast_in_dim3A_1 = vector.broadcast %broadcast_in_dim3A : f32 to vector<16xf32>
    %scan3A = arith.constant 0 : i32
    %scan3A_2 = arith.constant 0 : i32
    %scan3A_3 = arith.constant 640 : i32
    %scan3A_4 = arith.addi %scan3A_2, %scan3A_3 : i32
    %scan3A_5 = arith.constant 1 : i32
    scf.for %scan3A_23 = %scan3A_2 to %scan3A_4 step %scan3A_5  : i32 {
      %mul3A_24 = arith.constant 16 : i32
      %mul3A_25 = arith.muli %scan3A_23, %mul3A_24 : i32
      %swap3A = arith.index_cast %mul3A_25 : i32 to index
      %swap3A_26 = tpu.vector_load %arg5[%swap3A] {strides = array<i32>} : memref<10240xf32, #tpu.memory_space<vmem>>, vector<16xf32>,
      tpu.vector_store %arg5[%swap3A], %broadcast_in_dim3A_1 {strides = array<i32>} : memref<10240xf32, #tpu.memory_space<vmem>>, vector<16xf32>,
    }
    %scan3A_6 = arith.constant 640 : i32
    %broadcast_in_dim3A_7 = arith.constant 1.000000e+00 : f32
    %broadcast_in_dim3A_8 = vector.broadcast %broadcast_in_dim3A_7 : f32 to vector<16xf32>
    %scan3A_9 = arith.constant 0 : i32
    %scan3A_10 = arith.constant 0 : i32
    %scan3A_11 = arith.constant 40 : i32
    %scan3A_12 = arith.addi %scan3A_10, %scan3A_11 : i32
    %scan3A_13 = arith.constant 1 : i32
    scf.for %scan3A_23 = %scan3A_10 to %scan3A_12 step %scan3A_13  : i32 {
      %scan3A_24 = arith.constant 0 : i32
      %scan3A_25 = arith.constant 8 : i32
      %scan3A_26 = arith.addi %scan3A_24, %scan3A_25 : i32
      %scan3A_27 = arith.constant 1 : i32
      scf.for %scan3A_29 = %scan3A_24 to %scan3A_26 step %scan3A_27  : i32 {
        %mul3A_30 = arith.constant 16 : i32
        %mul3A_31 = arith.muli %scan3A_29, %mul3A_30 : i32
        %get3A = arith.constant 0 : i32
        %get3A_32 = arith.index_cast %get3A : i32 to index
        %get3A_33 = arith.index_cast %scan3A_23 : i32 to index
        %get3A_34 = arith.index_cast %mul3A_31 : i32 to index
        %get3A_35 = tpu.vector_load %arg4[%get3A_32, %get3A_33, %get3A_34] {strides = array<i32>} : memref<2x40x128xi32, #tpu.memory_space<vmem>>, vector<16xi32>,
        tpu.vector_store_idx %arg5[%get3A_35], %broadcast_in_dim3A_8 {add = true} : memref<10240xf32, #tpu.memory_space<vmem>>[vector<16xi32>], vector<16xf32>,
      }
      %scan3A_28 = arith.constant 8 : i32
    }
    %scan3A_14 = arith.constant 40 : i32
    %scan3A_15 = arith.constant 0 : i32
    %scan3A_16 = arith.constant 0 : i32
    %scan3A_17 = arith.constant 40 : i32
    %scan3A_18 = arith.addi %scan3A_16, %scan3A_17 : i32
    %scan3A_19 = arith.constant 1 : i32
    scf.for %scan3A_23 = %scan3A_16 to %scan3A_18 step %scan3A_19  : i32 {
      %scan3A_24 = arith.constant 0 : i32
      %scan3A_25 = arith.constant 8 : i32
      %scan3A_26 = arith.addi %scan3A_24, %scan3A_25 : i32
      %scan3A_27 = arith.constant 1 : i32
      scf.for %scan3A_29 = %scan3A_24 to %scan3A_26 step %scan3A_27  : i32 {
        %mul3A_30 = arith.constant 16 : i32
        %mul3A_31 = arith.muli %scan3A_29, %mul3A_30 : i32
        %get3A = arith.constant 1 : i32
        %get3A_32 = arith.index_cast %get3A : i32 to index
        %get3A_33 = arith.index_cast %scan3A_23 : i32 to index
        %get3A_34 = arith.index_cast %mul3A_31 : i32 to index
        %get3A_35 = tpu.vector_load %arg4[%get3A_32, %get3A_33, %get3A_34] {strides = array<i32>} : memref<2x40x128xi32, #tpu.memory_space<vmem>>, vector<16xi32>,
        tpu.vector_store_idx %arg5[%get3A_35], %broadcast_in_dim3A_8 {add = true} : memref<10240xf32, #tpu.memory_space<vmem>>[vector<16xi32>], vector<16xf32>,
      }
      %scan3A_28 = arith.constant 8 : i32
    }
    %scan3A_20 = arith.constant 40 : i32
    %mul3A_21 = arith.constant 10240 : i32
    %mul3A_22 = arith.muli %add3A, %mul3A_21 : i32
    "tpu.region"() ({
      %run_scoped3A = tpu.sem_alloc : memref<!tpu.dma_semaphore, #tpu.memory_space<semaphore_mem>>
      %dma_start3A = tpu.memref_slice %arg3[%mul3A_22] : memref<327680xf32, #tpu.memory_space<hbm>> -> memref<10240xf32, #tpu.memory_space<hbm>>
      %dma_start3A_23 = tpu.memref_slice %arg3[%mul3A_22] : memref<327680xf32, #tpu.memory_space<hbm>> -> memref<10240xf32, #tpu.memory_space<hbm>>
      tpu.enqueue_dma source(%arg5 : memref<10240xf32, #tpu.memory_space<vmem>>) target(%dma_start3A_23 : memref<10240xf32, #tpu.memory_space<hbm>>) target_semaphore(%run_scoped3A : memref<!tpu.dma_semaphore, #tpu.memory_space<semaphore_mem>>)
      %dma_wait3A = tpu.memref_slice %arg3[%mul3A_22] : memref<327680xf32, #tpu.memory_space<hbm>> -> memref<10240xf32, #tpu.memory_space<hbm>>
      %dma_wait3A_24 = tpu.memref_slice %arg3[%mul3A_22] : memref<327680xf32, #tpu.memory_space<hbm>> -> memref<10240xf32, #tpu.memory_space<hbm>>
      tpu.wait_dma2 semaphore(%run_scoped3A : memref<!tpu.dma_semaphore, #tpu.memory_space<semaphore_mem>>) src(%arg5 : memref<10240xf32, #tpu.memory_space<vmem>>) dst(%dma_wait3A_24 : memref<10240xf32, #tpu.memory_space<hbm>>)
      tpu.yield
    }) : () -> ()
    return
  }
}

#map = affine_map<(d0, d1) -> (0, 0)>
#map1 = affine_map<(d0, d1) -> (0, 0, 0)>
module attributes {stable_mosaic.version = 14 : i64} {
  func.func @_sc_gather(%arg0: i32, %arg1: i32, %arg2: memref<10240x128xf32, #tpu.memory_space<hbm>>, %arg3: memref<32x26x128xi32, #tpu.memory_space<hbm>>, %arg4: memref<832x128x128xf32, #tpu.memory_space<hbm>>, %arg5: memref<26x128xi32, #tpu.memory_space<vmem>>, %arg6: memref<128x128xf32, #tpu.memory_space<vmem>>, %arg7: memref<128x128xf32, #tpu.memory_space<vmem>>, %arg8: memref<!tpu.dma_semaphore, #tpu.memory_space<semaphore_mem>>, %arg9: memref<!tpu.dma_semaphore, #tpu.memory_space<semaphore_mem>>) attributes {dimension_semantics = [#tpu.dimension_semantics<core_parallel>, #tpu.dimension_semantics<subcore_parallel>], iteration_bounds = array<i64: 2, 16>, scalar_prefetch = 0 : i64, scratch_operands = 5 : i64, tpu.core_type = #tpu.core_type<sc_vector_subcore>, window_params = [{transform_indices = #map}, {transform_indices = #map1}, {transform_indices = #map1}]} {
    %mul3A = arith.constant 16 : i32
    %mul3A_0 = arith.muli %arg0, %mul3A : i32
    %add3A = arith.addi %mul3A_0, %arg1 : i32
    "tpu.region"() ({
      %run_scoped3A = tpu.sem_alloc : memref<!tpu.dma_semaphore, #tpu.memory_space<semaphore_mem>>
      %dma_start3A_12 = arith.constant 0 : i32
      %dma_start3A_13 = arith.constant 0 : i32
      %dma_start3A_14 = tpu.memref_slice %arg3[%add3A, %dma_start3A_12, %dma_start3A_13] : memref<32x26x128xi32, #tpu.memory_space<hbm>> -> memref<1x26x128xi32, #tpu.memory_space<hbm>>
      %dma_start3A_15 = tpu.memref_squeeze %dma_start3A_14 : memref<1x26x128xi32, #tpu.memory_space<hbm>> -> memref<26x128xi32, #tpu.memory_space<hbm>>
      %dma_start3A_16 = arith.constant 0 : i32
      %dma_start3A_17 = arith.constant 0 : i32
      %dma_start3A_18 = tpu.memref_slice %arg3[%add3A, %dma_start3A_16, %dma_start3A_17] : memref<32x26x128xi32, #tpu.memory_space<hbm>> -> memref<1x26x128xi32, #tpu.memory_space<hbm>>
      %dma_start3A_19 = tpu.memref_squeeze %dma_start3A_18 : memref<1x26x128xi32, #tpu.memory_space<hbm>> -> memref<26x128xi32, #tpu.memory_space<hbm>>
      tpu.enqueue_dma source(%dma_start3A_19 : memref<26x128xi32, #tpu.memory_space<hbm>>) target(%arg5 : memref<26x128xi32, #tpu.memory_space<vmem>>) target_semaphore(%run_scoped3A : memref<!tpu.dma_semaphore, #tpu.memory_space<semaphore_mem>>)
      %dma_wait3A = arith.constant 0 : i32
      %dma_wait3A_20 = arith.constant 0 : i32
      %dma_wait3A_21 = tpu.memref_slice %arg3[%add3A, %dma_wait3A, %dma_wait3A_20] : memref<32x26x128xi32, #tpu.memory_space<hbm>> -> memref<1x26x128xi32, #tpu.memory_space<hbm>>
      %dma_wait3A_22 = tpu.memref_squeeze %dma_wait3A_21 : memref<1x26x128xi32, #tpu.memory_space<hbm>> -> memref<26x128xi32, #tpu.memory_space<hbm>>
      %dma_wait3A_23 = arith.constant 0 : i32
      %dma_wait3A_24 = arith.constant 0 : i32
      %dma_wait3A_25 = tpu.memref_slice %arg3[%add3A, %dma_wait3A_23, %dma_wait3A_24] : memref<32x26x128xi32, #tpu.memory_space<hbm>> -> memref<1x26x128xi32, #tpu.memory_space<hbm>>
      %dma_wait3A_26 = tpu.memref_squeeze %dma_wait3A_25 : memref<1x26x128xi32, #tpu.memory_space<hbm>> -> memref<26x128xi32, #tpu.memory_space<hbm>>
      tpu.wait_dma2 semaphore(%run_scoped3A : memref<!tpu.dma_semaphore, #tpu.memory_space<semaphore_mem>>) src(%dma_wait3A_26 : memref<26x128xi32, #tpu.memory_space<hbm>>) dst(%arg5 : memref<26x128xi32, #tpu.memory_space<vmem>>)
      tpu.yield
    }) : () -> ()
    %dma_start3A = arith.constant 0 : i32
    %dma_start3A_1 = arith.constant 0 : i32
    %dma_start3A_2 = tpu.memref_slice %arg5[%dma_start3A, %dma_start3A_1] : memref<26x128xi32, #tpu.memory_space<vmem>> -> memref<1x128xi32, #tpu.memory_space<vmem>>
    %dma_start3A_3 = tpu.memref_squeeze %dma_start3A_2 : memref<1x128xi32, #tpu.memory_space<vmem>> -> memref<128xi32, #tpu.memory_space<vmem>>
    %dma_start3A_4 = arith.constant 0 : i32
    %dma_start3A_5 = arith.constant 0 : i32
    %dma_start3A_6 = tpu.memref_slice %arg2[%dma_start3A_4, %dma_start3A_5] : memref<10240x128xf32, #tpu.memory_space<hbm>> -> memref<10240x128xf32, #tpu.memory_space<hbm>>
    tpu.enqueue_indirect_dma source(%dma_start3A_6 : memref<10240x128xf32, #tpu.memory_space<hbm>>) target(%arg6 : memref<128x128xf32, #tpu.memory_space<vmem>>) offsets(%dma_start3A_3 : memref<128xi32, #tpu.memory_space<vmem>>) semaphore(%arg8 : memref<!tpu.dma_semaphore, #tpu.memory_space<semaphore_mem>>)
    %scan3A = arith.constant 0 : i32
    %scan3A_7 = arith.constant 0 : i32
    %scan3A_8 = arith.constant 13 : i32
    %scan3A_9 = arith.addi %scan3A_7, %scan3A_8 : i32
    %scan3A_10 = arith.constant 1 : i32
    scf.for %scan3A_12 = %scan3A_7 to %scan3A_9 step %scan3A_10  : i32 {
      %mul3A_13 = arith.constant 2 : i32
      %mul3A_14 = arith.muli %scan3A_12, %mul3A_13 : i32
      %dma_wait3A = arith.constant 0 : i32
      %dma_wait3A_15 = arith.constant 0 : i32
      %dma_wait3A_16 = tpu.memref_slice %arg5[%dma_wait3A, %dma_wait3A_15] : memref<26x128xi32, #tpu.memory_space<vmem>> -> memref<1x128xi32, #tpu.memory_space<vmem>>
      %dma_wait3A_17 = tpu.memref_squeeze %dma_wait3A_16 : memref<1x128xi32, #tpu.memory_space<vmem>> -> memref<128xi32, #tpu.memory_space<vmem>>
      %dma_wait3A_18 = arith.constant 0 : i32
      %dma_wait3A_19 = arith.constant 0 : i32
      %dma_wait3A_20 = tpu.memref_slice %arg2[%dma_wait3A_18, %dma_wait3A_19] : memref<10240x128xf32, #tpu.memory_space<hbm>> -> memref<10240x128xf32, #tpu.memory_space<hbm>>
      tpu.wait_indirect_dma semaphore(%arg8 : memref<!tpu.dma_semaphore, #tpu.memory_space<semaphore_mem>>) src(%dma_wait3A_20 : memref<10240x128xf32, #tpu.memory_space<hbm>>) dst(%arg6 : memref<128x128xf32, #tpu.memory_space<vmem>>)
      %add3A_21 = arith.constant 1 : i32
      %add3A_22 = arith.addi %mul3A_14, %add3A_21 : i32
      %dma_start3A_23 = arith.constant 0 : i32
      %dma_start3A_24 = tpu.memref_slice %arg5[%add3A_22, %dma_start3A_23] : memref<26x128xi32, #tpu.memory_space<vmem>> -> memref<1x128xi32, #tpu.memory_space<vmem>>
      %dma_start3A_25 = tpu.memref_squeeze %dma_start3A_24 : memref<1x128xi32, #tpu.memory_space<vmem>> -> memref<128xi32, #tpu.memory_space<vmem>>
      %dma_start3A_26 = arith.constant 0 : i32
      %dma_start3A_27 = arith.constant 0 : i32
      %dma_start3A_28 = tpu.memref_slice %arg2[%dma_start3A_26, %dma_start3A_27] : memref<10240x128xf32, #tpu.memory_space<hbm>> -> memref<10240x128xf32, #tpu.memory_space<hbm>>
      tpu.enqueue_indirect_dma source(%dma_start3A_28 : memref<10240x128xf32, #tpu.memory_space<hbm>>) target(%arg7 : memref<128x128xf32, #tpu.memory_space<vmem>>) offsets(%dma_start3A_25 : memref<128xi32, #tpu.memory_space<vmem>>) semaphore(%arg9 : memref<!tpu.dma_semaphore, #tpu.memory_space<semaphore_mem>>)
      %mul3A_29 = arith.constant 26 : i32
      %mul3A_30 = arith.muli %add3A, %mul3A_29 : i32
      %add3A_31 = arith.addi %mul3A_30, %mul3A_14 : i32
      "tpu.region"() ({
        %run_scoped3A = tpu.sem_alloc : memref<!tpu.dma_semaphore, #tpu.memory_space<semaphore_mem>>
        %dma_start3A_46 = arith.constant 0 : i32
        %dma_start3A_47 = arith.constant 0 : i32
        %dma_start3A_48 = tpu.memref_slice %arg4[%add3A_31, %dma_start3A_46, %dma_start3A_47] : memref<832x128x128xf32, #tpu.memory_space<hbm>> -> memref<1x128x128xf32, #tpu.memory_space<hbm>>
        %dma_start3A_49 = tpu.memref_squeeze %dma_start3A_48 : memref<1x128x128xf32, #tpu.memory_space<hbm>> -> memref<128x128xf32, #tpu.memory_space<hbm>>
        %dma_start3A_50 = arith.constant 0 : i32
        %dma_start3A_51 = arith.constant 0 : i32
        %dma_start3A_52 = tpu.memref_slice %arg4[%add3A_31, %dma_start3A_50, %dma_start3A_51] : memref<832x128x128xf32, #tpu.memory_space<hbm>> -> memref<1x128x128xf32, #tpu.memory_space<hbm>>
        %dma_start3A_53 = tpu.memref_squeeze %dma_start3A_52 : memref<1x128x128xf32, #tpu.memory_space<hbm>> -> memref<128x128xf32, #tpu.memory_space<hbm>>
        tpu.enqueue_dma source(%arg6 : memref<128x128xf32, #tpu.memory_space<vmem>>) target(%dma_start3A_53 : memref<128x128xf32, #tpu.memory_space<hbm>>) target_semaphore(%run_scoped3A : memref<!tpu.dma_semaphore, #tpu.memory_space<semaphore_mem>>)
        %dma_wait3A_54 = arith.constant 0 : i32
        %dma_wait3A_55 = arith.constant 0 : i32
        %dma_wait3A_56 = tpu.memref_slice %arg4[%add3A_31, %dma_wait3A_54, %dma_wait3A_55] : memref<832x128x128xf32, #tpu.memory_space<hbm>> -> memref<1x128x128xf32, #tpu.memory_space<hbm>>
        %dma_wait3A_57 = tpu.memref_squeeze %dma_wait3A_56 : memref<1x128x128xf32, #tpu.memory_space<hbm>> -> memref<128x128xf32, #tpu.memory_space<hbm>>
        %dma_wait3A_58 = arith.constant 0 : i32
        %dma_wait3A_59 = arith.constant 0 : i32
        %dma_wait3A_60 = tpu.memref_slice %arg4[%add3A_31, %dma_wait3A_58, %dma_wait3A_59] : memref<832x128x128xf32, #tpu.memory_space<hbm>> -> memref<1x128x128xf32, #tpu.memory_space<hbm>>
        %dma_wait3A_61 = tpu.memref_squeeze %dma_wait3A_60 : memref<1x128x128xf32, #tpu.memory_space<hbm>> -> memref<128x128xf32, #tpu.memory_space<hbm>>
        tpu.wait_dma2 semaphore(%run_scoped3A : memref<!tpu.dma_semaphore, #tpu.memory_space<semaphore_mem>>) src(%arg6 : memref<128x128xf32, #tpu.memory_space<vmem>>) dst(%dma_wait3A_61 : memref<128x128xf32, #tpu.memory_space<hbm>>)
        tpu.yield
      }) : () -> ()
      %dma_wait3A_32 = arith.constant 0 : i32
      %dma_wait3A_33 = arith.constant 0 : i32
      %dma_wait3A_34 = tpu.memref_slice %arg5[%dma_wait3A_32, %dma_wait3A_33] : memref<26x128xi32, #tpu.memory_space<vmem>> -> memref<1x128xi32, #tpu.memory_space<vmem>>
      %dma_wait3A_35 = tpu.memref_squeeze %dma_wait3A_34 : memref<1x128xi32, #tpu.memory_space<vmem>> -> memref<128xi32, #tpu.memory_space<vmem>>
      %dma_wait3A_36 = arith.constant 0 : i32
      %dma_wait3A_37 = arith.constant 0 : i32
      %dma_wait3A_38 = tpu.memref_slice %arg2[%dma_wait3A_36, %dma_wait3A_37] : memref<10240x128xf32, #tpu.memory_space<hbm>> -> memref<10240x128xf32, #tpu.memory_space<hbm>>
      tpu.wait_indirect_dma semaphore(%arg9 : memref<!tpu.dma_semaphore, #tpu.memory_space<semaphore_mem>>) src(%dma_wait3A_38 : memref<10240x128xf32, #tpu.memory_space<hbm>>) dst(%arg7 : memref<128x128xf32, #tpu.memory_space<vmem>>)
      %lt3A = arith.constant 12 : i32
      %lt3A_39 = arith.cmpi slt, %scan3A_12, %lt3A : i32
      %convert_element_type3A = arith.extui %lt3A_39 : i1 to i32
      %cond3A = arith.constant 0 : i32
      %cond3A_40 = arith.cmpi ne, %convert_element_type3A, %cond3A : i32
      scf.if %cond3A_40 {
        %add3A_46 = arith.constant 2 : i32
        %add3A_47 = arith.addi %mul3A_14, %add3A_46 : i32
        %dma_start3A_48 = arith.constant 0 : i32
        %dma_start3A_49 = tpu.memref_slice %arg5[%add3A_47, %dma_start3A_48] : memref<26x128xi32, #tpu.memory_space<vmem>> -> memref<1x128xi32, #tpu.memory_space<vmem>>
        %dma_start3A_50 = tpu.memref_squeeze %dma_start3A_49 : memref<1x128xi32, #tpu.memory_space<vmem>> -> memref<128xi32, #tpu.memory_space<vmem>>
        %dma_start3A_51 = arith.constant 0 : i32
        %dma_start3A_52 = arith.constant 0 : i32
        %dma_start3A_53 = tpu.memref_slice %arg2[%dma_start3A_51, %dma_start3A_52] : memref<10240x128xf32, #tpu.memory_space<hbm>> -> memref<10240x128xf32, #tpu.memory_space<hbm>>
        tpu.enqueue_indirect_dma source(%dma_start3A_53 : memref<10240x128xf32, #tpu.memory_space<hbm>>) target(%arg6 : memref<128x128xf32, #tpu.memory_space<vmem>>) offsets(%dma_start3A_50 : memref<128xi32, #tpu.memory_space<vmem>>) semaphore(%arg8 : memref<!tpu.dma_semaphore, #tpu.memory_space<semaphore_mem>>)
      } else {
      }
      %mul3A_41 = arith.constant 26 : i32
      %mul3A_42 = arith.muli %add3A, %mul3A_41 : i32
      %add3A_43 = arith.addi %mul3A_42, %mul3A_14 : i32
      %add3A_44 = arith.constant 1 : i32
      %add3A_45 = arith.addi %add3A_43, %add3A_44 : i32
      "tpu.region"() ({
        %run_scoped3A = tpu.sem_alloc : memref<!tpu.dma_semaphore, #tpu.memory_space<semaphore_mem>>
        %dma_start3A_46 = arith.constant 0 : i32
        %dma_start3A_47 = arith.constant 0 : i32
        %dma_start3A_48 = tpu.memref_slice %arg4[%add3A_45, %dma_start3A_46, %dma_start3A_47] : memref<832x128x128xf32, #tpu.memory_space<hbm>> -> memref<1x128x128xf32, #tpu.memory_space<hbm>>
        %dma_start3A_49 = tpu.memref_squeeze %dma_start3A_48 : memref<1x128x128xf32, #tpu.memory_space<hbm>> -> memref<128x128xf32, #tpu.memory_space<hbm>>
        %dma_start3A_50 = arith.constant 0 : i32
        %dma_start3A_51 = arith.constant 0 : i32
        %dma_start3A_52 = tpu.memref_slice %arg4[%add3A_45, %dma_start3A_50, %dma_start3A_51] : memref<832x128x128xf32, #tpu.memory_space<hbm>> -> memref<1x128x128xf32, #tpu.memory_space<hbm>>
        %dma_start3A_53 = tpu.memref_squeeze %dma_start3A_52 : memref<1x128x128xf32, #tpu.memory_space<hbm>> -> memref<128x128xf32, #tpu.memory_space<hbm>>
        tpu.enqueue_dma source(%arg7 : memref<128x128xf32, #tpu.memory_space<vmem>>) target(%dma_start3A_53 : memref<128x128xf32, #tpu.memory_space<hbm>>) target_semaphore(%run_scoped3A : memref<!tpu.dma_semaphore, #tpu.memory_space<semaphore_mem>>)
        %dma_wait3A_54 = arith.constant 0 : i32
        %dma_wait3A_55 = arith.constant 0 : i32
        %dma_wait3A_56 = tpu.memref_slice %arg4[%add3A_45, %dma_wait3A_54, %dma_wait3A_55] : memref<832x128x128xf32, #tpu.memory_space<hbm>> -> memref<1x128x128xf32, #tpu.memory_space<hbm>>
        %dma_wait3A_57 = tpu.memref_squeeze %dma_wait3A_56 : memref<1x128x128xf32, #tpu.memory_space<hbm>> -> memref<128x128xf32, #tpu.memory_space<hbm>>
        %dma_wait3A_58 = arith.constant 0 : i32
        %dma_wait3A_59 = arith.constant 0 : i32
        %dma_wait3A_60 = tpu.memref_slice %arg4[%add3A_45, %dma_wait3A_58, %dma_wait3A_59] : memref<832x128x128xf32, #tpu.memory_space<hbm>> -> memref<1x128x128xf32, #tpu.memory_space<hbm>>
        %dma_wait3A_61 = tpu.memref_squeeze %dma_wait3A_60 : memref<1x128x128xf32, #tpu.memory_space<hbm>> -> memref<128x128xf32, #tpu.memory_space<hbm>>
        tpu.wait_dma2 semaphore(%run_scoped3A : memref<!tpu.dma_semaphore, #tpu.memory_space<semaphore_mem>>) src(%arg7 : memref<128x128xf32, #tpu.memory_space<vmem>>) dst(%dma_wait3A_61 : memref<128x128xf32, #tpu.memory_space<hbm>>)
        tpu.yield
      }) : () -> ()
    }
    %scan3A_11 = arith.constant 13 : i32
    return
  }
}

module attributes {stable_mosaic.version = 14 : i64} {
  func.func @_tc_prep_body(%arg0: i32, %arg1: memref<1024x128xf32, #tpu.memory_space<vmem>>, %arg2: memref<128x128xf32, #tpu.memory_space<vmem>>, %arg3: memref<32x1024xf32, #tpu.memory_space<vmem>>, %arg4: memref<1024x128xf32, #tpu.memory_space<vmem>>) attributes {dimension_semantics = [#tpu.dimension_semantics<arbitrary>], iteration_bounds = array<i64: 10>, scalar_prefetch = 0 : i64, scratch_operands = 0 : i64, tpu.core_type = #tpu.core_type<tc>, window_params = [{transform_indices = @transform_0, window_bounds = array<i64: 1024, 128>}, {pipeline_mode = #tpu.pipeline_mode<synchronous>, transform_indices = @transform_1, window_bounds = array<i64: 128, 128>}, {transform_indices = @transform_2, window_bounds = array<i64: 32, 1024>}, {transform_indices = @transform_3, window_bounds = array<i64: 1024, 128>}]} {
    %get3A = arith.constant 0 : index
    %get3A_0 = arith.constant 0 : index
    %get3A_1 = vector.load %arg1[%get3A, %get3A_0] : memref<1024x128xf32, #tpu.memory_space<vmem>>, vector<1024x128xf32>
    %get3A_2 = arith.constant 0 : index
    %get3A_3 = arith.constant 0 : index
    %get3A_4 = vector.load %arg2[%get3A_2, %get3A_3] : memref<128x128xf32, #tpu.memory_space<vmem>>, vector<128x128xf32>
    %dot_general3A = arith.constant dense<0.000000e+00> : vector<1024x128xf32>
    %dot_general3A_5 = tpu.matmul %get3A_1, %get3A_4, %dot_general3A {dimension_numbers = #tpu.dot_dimension_numbers<[1], [0], [0], [1], [0, 0, 1, 1], [], []>, transpose_lhs_hint = false} : vector<1024x128xf32>, vector<128x128xf32>, vector<1024x128xf32> -> vector<1024x128xf32>
    %get3A_6 = arith.constant 0 : index
    %get3A_7 = arith.constant 0 : index
    %get3A_8 = vector.load %arg3[%get3A_6, %get3A_7] : memref<32x1024xf32, #tpu.memory_space<vmem>>, vector<32x1024xf32>
    %broadcast_in_dim3A = arith.constant 1.000000e+00 : f32
    %broadcast_in_dim3A_9 = vector.broadcast %broadcast_in_dim3A : f32 to vector<32x1xf32>
    %dot_general3A_10 = arith.constant dense<0.000000e+00> : vector<1024x1xf32>
    %dot_general3A_11 = tpu.matmul %get3A_8, %broadcast_in_dim3A_9, %dot_general3A_10 {dimension_numbers = #tpu.dot_dimension_numbers<[0], [0], [1], [1], [0, 1, 1, 1], [], []>, transpose_lhs_hint = false} : vector<32x1024xf32>, vector<32x1xf32>, vector<1024x1xf32> -> vector<1024x1xf32>
    %add3A = arith.constant 1.000000e+00 : f32
    %add3A_12 = vector.broadcast %add3A : f32 to vector<1024x1xf32>
    %add3A_13 = arith.addf %dot_general3A_11, %add3A_12 : vector<1024x1xf32>
    %rsqrt3A = math.rsqrt %add3A_13 : vector<1024x1xf32>
    %mul3A = vector.broadcast %rsqrt3A : vector<1024x1xf32> to vector<1024x128xf32>
    %mul3A_14 = arith.mulf %dot_general3A_5, %mul3A : vector<1024x128xf32>
    %swap3A = arith.constant 0 : index
    %swap3A_15 = arith.constant 0 : index
    %swap3A_16 = vector.load %arg4[%swap3A, %swap3A_15] : memref<1024x128xf32, #tpu.memory_space<vmem>>, vector<1024x128xf32>
    tpu.vector_store %arg4[%swap3A, %swap3A_15], %mul3A_14 {strides = array<i32>} : memref<1024x128xf32, #tpu.memory_space<vmem>>, vector<1024x128xf32>,
    return
  }
  func.func @transform_0(%arg0: i32) -> (i32, i32) {
    %c0_i32 = arith.constant 0 : i32
    %c0_i32_0 = arith.constant 0 : i32
    return %arg0, %c0_i32 : i32, i32
  }
  func.func @transform_1(%arg0: i32) -> (i32, i32) {
    %c0_i32 = arith.constant 0 : i32
    %c0_i32_0 = arith.constant 0 : i32
    %c0_i32_1 = arith.constant 0 : i32
    return %c0_i32, %c0_i32_0 : i32, i32
  }
  func.func @transform_2(%arg0: i32) -> (i32, i32) {
    %c0_i32 = arith.constant 0 : i32
    %c0_i32_0 = arith.constant 0 : i32
    return %c0_i32, %arg0 : i32, i32
  }
  func.func @transform_3(%arg0: i32) -> (i32, i32) {
    %c0_i32 = arith.constant 0 : i32
    %c0_i32_0 = arith.constant 0 : i32
    return %arg0, %c0_i32 : i32, i32
  }
}

module attributes {stable_mosaic.version = 14 : i64} {
  func.func @_tc_combine_body(%arg0: i32, %arg1: memref<2x1024x128xf32, #tpu.memory_space<vmem>>, %arg2: memref<1024x128xf32, #tpu.memory_space<vmem>>, %arg3: memref<32x1024xf32, #tpu.memory_space<vmem>>, %arg4: memref<128xf32, #tpu.memory_space<vmem>>, %arg5: memref<1024x128xf32, #tpu.memory_space<vmem>>) attributes {dimension_semantics = [#tpu.dimension_semantics<arbitrary>], iteration_bounds = array<i64: 10>, scalar_prefetch = 0 : i64, scratch_operands = 0 : i64, tpu.core_type = #tpu.core_type<tc>, window_params = [{transform_indices = @transform_0, window_bounds = array<i64: 2, 1024, 128>}, {transform_indices = @transform_1, window_bounds = array<i64: 1024, 128>}, {transform_indices = @transform_2, window_bounds = array<i64: 32, 1024>}, {pipeline_mode = #tpu.pipeline_mode<synchronous>, transform_indices = @transform_3, window_bounds = array<i64: 128>}, {transform_indices = @transform_4, window_bounds = array<i64: 1024, 128>}]} {
    %get3A = arith.constant 0 : index
    %get3A_0 = arith.constant 0 : index
    %get3A_1 = arith.constant 0 : index
    %get3A_2 = vector.load %arg1[%get3A, %get3A_0, %get3A_1] : memref<2x1024x128xf32, #tpu.memory_space<vmem>>, vector<1x1024x128xf32>
    %get3A_3 = vector.shape_cast %get3A_2 : vector<1x1024x128xf32> to vector<1024x128xf32>
    %get3A_4 = arith.constant 1 : index
    %get3A_5 = arith.constant 0 : index
    %get3A_6 = arith.constant 0 : index
    %get3A_7 = vector.load %arg1[%get3A_4, %get3A_5, %get3A_6] : memref<2x1024x128xf32, #tpu.memory_space<vmem>>, vector<1x1024x128xf32>
    %get3A_8 = vector.shape_cast %get3A_7 : vector<1x1024x128xf32> to vector<1024x128xf32>
    %add3A = arith.addf %get3A_3, %get3A_8 : vector<1024x128xf32>
    %get3A_9 = arith.constant 0 : index
    %get3A_10 = arith.constant 0 : index
    %get3A_11 = vector.load %arg3[%get3A_9, %get3A_10] : memref<32x1024xf32, #tpu.memory_space<vmem>>, vector<32x1024xf32>
    %broadcast_in_dim3A = arith.constant 1.000000e+00 : f32
    %broadcast_in_dim3A_12 = vector.broadcast %broadcast_in_dim3A : f32 to vector<32x1xf32>
    %dot_general3A = arith.constant dense<0.000000e+00> : vector<1024x1xf32>
    %dot_general3A_13 = tpu.matmul %get3A_11, %broadcast_in_dim3A_12, %dot_general3A {dimension_numbers = #tpu.dot_dimension_numbers<[0], [0], [1], [1], [0, 1, 1, 1], [], []>, transpose_lhs_hint = false} : vector<32x1024xf32>, vector<32x1xf32>, vector<1024x1xf32> -> vector<1024x1xf32>
    %add3A_14 = arith.constant 1.000000e+00 : f32
    %add3A_15 = vector.broadcast %add3A_14 : f32 to vector<1024x1xf32>
    %add3A_16 = arith.addf %dot_general3A_13, %add3A_15 : vector<1024x1xf32>
    %rsqrt3A = math.rsqrt %add3A_16 : vector<1024x1xf32>
    %get3A_17 = arith.constant 0 : index
    %get3A_18 = arith.constant 0 : index
    %get3A_19 = vector.load %arg2[%get3A_17, %get3A_18] : memref<1024x128xf32, #tpu.memory_space<vmem>>, vector<1024x128xf32>
    %add3A_20 = arith.addf %add3A, %get3A_19 : vector<1024x128xf32>
    %mul3A = vector.broadcast %rsqrt3A : vector<1024x1xf32> to vector<1024x128xf32>
    %mul3A_21 = arith.mulf %mul3A, %add3A_20 : vector<1024x128xf32>
    %get3A_22 = arith.constant 0 : index
    %get3A_23 = vector.load %arg4[%get3A_22] : memref<128xf32, #tpu.memory_space<vmem>>, vector<128xf32>
    %broadcast_in_dim3A_24 = vector.shape_cast %get3A_23 : vector<128xf32> to vector<1x128xf32>
    %add3A_25 = vector.broadcast %broadcast_in_dim3A_24 : vector<1x128xf32> to vector<1024x128xf32>
    %add3A_26 = arith.addf %mul3A_21, %add3A_25 : vector<1024x128xf32>
    %swap3A = arith.constant 0 : index
    %swap3A_27 = arith.constant 0 : index
    %swap3A_28 = vector.load %arg5[%swap3A, %swap3A_27] : memref<1024x128xf32, #tpu.memory_space<vmem>>, vector<1024x128xf32>
    tpu.vector_store %arg5[%swap3A, %swap3A_27], %add3A_26 {strides = array<i32>} : memref<1024x128xf32, #tpu.memory_space<vmem>>, vector<1024x128xf32>,
    return
  }
  func.func @transform_0(%arg0: i32) -> (i32, i32, i32) {
    %c0_i32 = arith.constant 0 : i32
    %c0_i32_0 = arith.constant 0 : i32
    %c0_i32_1 = arith.constant 0 : i32
    return %c0_i32, %arg0, %c0_i32_0 : i32, i32, i32
  }
  func.func @transform_1(%arg0: i32) -> (i32, i32) {
    %c0_i32 = arith.constant 0 : i32
    %c0_i32_0 = arith.constant 0 : i32
    return %arg0, %c0_i32 : i32, i32
  }
  func.func @transform_2(%arg0: i32) -> (i32, i32) {
    %c0_i32 = arith.constant 0 : i32
    %c0_i32_0 = arith.constant 0 : i32
    return %c0_i32, %arg0 : i32, i32
  }
  func.func @transform_3(%arg0: i32) -> i32 {
    %c0_i32 = arith.constant 0 : i32
    %c0_i32_0 = arith.constant 0 : i32
    return %c0_i32 : i32
  }
  func.func @transform_4(%arg0: i32) -> (i32, i32) {
    %c0_i32 = arith.constant 0 : i32
    %c0_i32_0 = arith.constant 0 : i32
    return %arg0, %c0_i32 : i32, i32
  }
}

</mosaic_0001>

<sc_bundles>
// kernel: kernel.10.cloned.1.call-start
scs
__scs_entry_jumppad:
0x0: {  	(pc) =	sbr.rel $0x88, $3  }
0x1: {  	(tag) =	ssettag $0x0;
	lr =	simm.s32 $0x1  }
0x2: {  	[smem:$0x3F9C] =	sst lr;
	_ =	strace $0xD0000000  }
0x3: {  	_ = 	snop  }
0x4: {  	_ = 	snop  }
0x5: {  	_ = 	snop  }
0x6: {  	_ = 	snop  }
0x7: {  	_ = 	snop  }
__scs_overlays_trampoline_lowered:
0x8: {  	[smem:$0x3FAB] =	sst s0  }
0x9: {  	[smem:$0x3FAC] =	sst s1  }
0xa: {  	[smem:$0x3FAD] =	sst s2  }
0xb: {  	[smem:$0x3FAE] =	sst s3  }
0xc: {  	[smem:$0x3FAF] =	sst s4  }
0xd: {  	[smem:$0x3FB0] =	sst s5  }
0xe: {  	[smem:$0x3FB1] =	sst s6  }
0xf: {  	[smem:$0x3FB2] =	sst s7  }
0x10: {  	[smem:$0x3FB3] =	sst s8  }
0x11: {  	[smem:$0x3FB4] =	sst s9;
	s0 =	simm.s32 @!p0 $0x0  }
0x12: {  	s1 =	sld [smem:$0x3F9A];
	s0 =	simm.s32 @p0 $0x1  }
0x13: {  	[smem:$0x3FB5] =	sst s0;
	s0 =	simm.s32 @!p1 $0x0  }
0x14: {  	s2 =	sld [smem:$0x3F99];
	s0 =	simm.s32 @p1 $0x1  }
0x15: {  	[smem:$0x3FB6] =	sst s0;
	s0 =	simm.s32 @!p2 $0x0  }
0x16: {  	s3 =	sld [smem:$0x3FDB];
	s0 =	simm.s32 @p2 $0x1  }
0x17: {  	s4 =	simm.s32 $0x1BF5;
	[smem:$0x3FB8] =	sst s0  }
0x18: {  	s0 =	sld [smem:$0x3F9B];
	_ =	swait.ge [sflag:s4], $0x0  }
0x19: {  	s7 =	sld [smem:$0x3F9C]  }
0x1a: {  	s8 =	sadd.s32 $0xFFFFE003, lr  }
0x1b: {  	s9 =	sadd.s32 $0xFFFFFEF7, lr;
	s5 =	simm.s32 $0xFFFFFFFF;
	p2 =	slt.u32 s8, $0xFFFFF086  }
0x1c: {  	p1 =	slt.u32 s9, $0xF7A;
	s5 =	simm.s32 @!p2 $0x0  }
0x1d: {  	s5 =	simm.s32 @p1 $0x1;
	p0 =	seq.s32 s7, s2  }
0x1e: {  	s7 =	smul.u32 @!p0 $0xF7A, s2;
	p2 =	seq.s32 @!p0 s5, $0x0  }
0x1f: {  	s9 =	smul.u32 $0xF7A, s1;
	s8 =	simm.s32 @!p0 $0x1BF5;
	p2 =	por !p2, p0  }
0x20: {  	[sflag:s8] =	ssyncset.s32 @!p0 $0xFFFFF086;
	s6 =	sadd.s32 @!p0 s3, s7;
	s7 =	simm.s32 @!p0 $0x108  }
0x21: {  	s3 =	sadd.s32 s3, s9;
	s6 =	sadd.s32 @!p0 $0x88, s6;
	s7 =	simm.s32 @p2 $0x1082  }
0x22: {  	[simem:s7], [sflag:s8] =	dma.local @!p0 [hbm:s6], $0xF7A  }
0x23: {  	s9 =	sor.u32 $0xD0000000, s2;
	s6 =	simm.s32 $0x108;
	_ =	swait.ge @!p0 [sflag:s8], $0x0  }
0x24: {  	s3 =	sadd.s32 $0x88, s3;
	s6 =	simm.s32 @!p1 $0x1082;
	[sflag:s4] =	ssyncset.s32 $0xFFFFF086  }
0x25: {  	[simem:s6], [sflag:s4] =	dma.local [hbm:s3], $0xF7A  }
0x26: {  	[smem:$0x3F9C] =	sst s1;
	(tag) =	ssettag s2;
	_ =	strace s9  }
0x27: {  	s1 =	sld [smem:$0x3FAC]  }
0x28: {  	s2 =	sld [smem:$0x3FAD]  }
0x29: {  	s4 =	sld [smem:$0x3FAF]  }
0x2a: {  	p0 =	seq.s32 s5, $0x0;
	s5 =	sld [smem:$0x3FB0]  }
0x2b: {  	s6 =	sld [smem:$0x3FB1]  }
0x2c: {  	s7 =	sld [smem:$0x3FB2]  }
0x2d: {  	s3 =	simm.s32 $0x108;
	s8 =	sld [smem:$0x3FB3]  }
0x2e: {  	s3 =	simm.s32 @!p0 $0x1082;
	s9 =	sld [smem:$0x3FB4]  }
0x2f: {  	lr =	sadd.s32 s0, s3;
	s0 =	sld [smem:$0x3FAB]  }
0x30: {  	s3 =	sld [smem:$0x3FAE]  }
0x31: {  	[smem:$0x3FB7] =	sst s10  }
0x32: {  	s10 =	sld [smem:$0x3FB5];
	_ =	sdelay $0x3  }
0x33: {  	p0 =	seq.s32 s10, $0x1;
	s10 =	sld [smem:$0x3FB7];
	_ =	sdelay $0x3  }
0x34: {  	[smem:$0x3FB7] =	sst s10  }
0x35: {  	s10 =	sld [smem:$0x3FB6];
	_ =	sdelay $0x3  }
0x36: {  	p1 =	seq.s32 s10, $0x1;
	s10 =	sld [smem:$0x3FB7];
	_ =	sdelay $0x3  }
0x37: {  	[smem:$0x3FB7] =	sst s10  }
0x38: {  	s10 =	sld [smem:$0x3FB8]  }
0x39: {  	_ = 	snop;
	(pc) =	sbr.ind lr, $3  }
0x3a: {  	_ = 	snop  }
0x3b: {  	_ = 	snop  }
0x3c: {  	p2 =	seq.s32 s10, $0x1;
	s10 =	sld [smem:$0x3FB7]  }
0x3d: {  	_ =	shalt  }
0x3e: {  	_ =	shalt  }
0x3f: {  	_ =	shalt  }
0x40: {  	_ =	shalt  }
0x41: {  	_ =	shalt  }
0x42: {  	_ =	shalt  }
0x43: {  	_ =	shalt  }
0x44: {  	_ =	shalt  }
0x45: {  	_ =	shalt  }
0x46: {  	_ =	shalt  }
0x47: {  	_ =	shalt  }
0x48: {  	_ =	shalt  }
0x49: {  	_ =	shalt  }
0x4a: {  	_ =	shalt  }
0x4b: {  	_ =	shalt  }
0x4c: {  	_ =	shalt  }
0x4d: {  	_ =	shalt  }
0x4e: {  	_ =	shalt  }
0x4f: {  	_ =	shalt  }
0x50: {  	_ =	shalt  }
0x51: {  	_ =	shalt  }
0x52: {  	_ =	shalt  }
0x53: {  	_ =	shalt  }
0x54: {  	_ =	shalt  }
0x55: {  	_ =	shalt  }
0x56: {  	_ =	shalt  }
0x57: {  	_ =	shalt  }
0x58: {  	_ =	shalt  }
0x59: {  	_ =	shalt  }
0x5a: {  	_ =	shalt  }
0x5b: {  	_ =	shalt  }
0x5c: {  	_ =	shalt  }
0x5d: {  	_ =	shalt  }
0x5e: {  	_ =	shalt  }
0x5f: {  	_ =	shalt  }
0x60: {  	_ =	shalt  }
0x61: {  	_ =	shalt  }
0x62: {  	_ =	shalt  }
0x63: {  	_ =	shalt  }
0x64: {  	_ =	shalt  }
0x65: {  	_ =	shalt  }
0x66: {  	_ =	shalt  }
0x67: {  	_ =	shalt  }
0x68: {  	_ =	shalt  }
0x69: {  	_ =	shalt  }
0x6a: {  	_ =	shalt  }
0x6b: {  	_ =	shalt  }
0x6c: {  	_ =	shalt  }
0x6d: {  	_ =	shalt  }
0x6e: {  	_ =	shalt  }
0x6f: {  	_ =	shalt  }
0x70: {  	_ =	shalt  }
0x71: {  	_ =	shalt  }
0x72: {  	_ =	shalt  }
0x73: {  	_ =	shalt  }
0x74: {  	_ =	shalt  }
0x75: {  	_ =	shalt  }
0x76: {  	_ =	shalt  }
0x77: {  	_ =	shalt  }
0x78: {  	_ =	shalt  }
0x79: {  	_ =	shalt  }
0x7a: {  	_ =	shalt  }
0x7b: {  	_ =	shalt  }
0x7c: {  	_ =	shalt  }
0x7d: {  	_ =	shalt  }
0x7e: {  	_ =	shalt  }
0x7f: {  	_ =	shalt  }
0x80: {  	_ =	shalt  }
0x81: {  	_ =	shalt  }
0x82: {  	_ =	shalt  }
0x83: {  	_ =	shalt  }
0x84: {  	_ =	shalt  }
0x85: {  	_ =	shalt  }
0x86: {  	_ =	shalt  }
0x87: {  	_ =	shalt  }
.Lfunc_end0:
.L_simem_size_0:
called_computation.2_lowered:
.L_overlay_start_0:
0x88: {  	s2 =	sld [smem:$0x3FD9]  }
0x89: {  	s3 =	sld [smem:$0x3FFE];
	_ =	sdelay $0x1  }
0x8a: {  	s1 =	srdreg.scid  }
0x8b: {  	s0 =	sand.u32 $0x1, s1  }
0x8c: {  	s17 =	sshll.u32 s0, $0xA;
	s2 =	sadd.s32 s3, s2  }
0x8d: {  	s2 =	sadd.s32 s2, s17  }
0x8e: {  	[smem:$0x3FC3] =	sst s2  }
0x8f: {  	_ = 	snop  }
0x90: {  	s2 =	sld [smem:$0x3FD0];
	(tm) =	ssettm $0x1  }
0x91: {  	s18 =	sld [smem:$0x3FFB];
	_ =	sdelay $0x3  }
0x92: {  	_ =	strace s18  }
0x93: {  	s3 =	sld [smem:$0x3FFC];
	_ =	sdelay $0x3  }
0x94: {  	_ =	strace s3  }
0x95: {  	s3 =	sld [smem:$0x3FFD];
	_ =	sdelay $0x3  }
0x96: {  	_ =	strace s3  }
0x97: {  	_ =	strace $0x8FFFFFFF  }
0x98: {  	s19 =	sld [smem:$0x3FDB];
	_ =	sdelay $0x1  }
0x99: {  	s4 =	simm.s32 $_scs_section_size  }
0x9a: {  	s5 =	simm.s32 $_size__tile_overlayer_lowered;
	s6 =	simm.s32 $_tile_overlayer_lowered  }
0x9b: {  	s22 =	simm.s32 $0x1BFF;
	s21 =	sshll.u32 s6, $0x1;
	s3 =	sadd.s32 s4, s19  }
0x9c: {  	s7 =	simm.s32 $0x0;
	s20 =	sshll.u32 s5, $0x1;
	s5 =	sadd.s32 s21, s3  }
0x9d: {  	[timem:s7], [sflag:s22] =	dma.local [hbm:s5], s20  }
0x9e: {  	_ =	swait.ge [sflag:s22], s20  }
0x9f: {  	s4 =	ssub.s32 $0x0, s20;
	[sflag:s22] =	ssyncset.done $0x0  }
0xa0: {  	[sflag:s22] =	ssyncadd.s32 s4;
	_ =	sdelay $0x1  }
0xa1: {  	s23 =	simm.s32 $0x1B8B  }
0xa2: {  	_ =	swait.ge [sflag:s23], $0x1  }
0xa3: {  	[sflag:s23] =	ssyncset.done $0x0  }
0xa4: {  	s25 =	simm.s32 $0x1B8E;
	s24 =	sld [smem:$0x3FFE];
	[sflag:s23] =	ssyncadd.s32 $0xFFFFFFFF  }
0xa5: {  	s26 =	simm.s32 $execute0_lowered;
	[smem:$0x3FD2] =	sst s25  }
0xa6: {  	s5 =	sshll.u32 s26, $0x1;
	_ =	strace $0x80000049;
	[dreg:$0x1] =	wrdreg $0xFFFFFFFF  }
0xa7: {  	s28 =	simm.s32 $_size_execute0_lowered;
	s3 =	sadd.s32 s3, s5;
	[dreg:$0x0] =	wrdreg $0x0  }
0xa8: {  	s5 =	sshll.u32 s28, $0x1;
	[dreg:$0x2] =	wrdreg s3  }
0xa9: {  	[dreg:$0x3] =	wrdreg s5  }
0xaa: {  	[dreg:$0x4] =	wrdreg $0xC0  }
0xab: {  	_ =	task [dreg:s7], $0x5FFFF  }
0xac: {  	[dreg:$0x1] =	wrdreg $0xFFFFFFFF  }
0xad: {  	[dreg:$0x0] =	wrdreg $0x60  }
0xae: {  	[dreg:$0x2] =	wrdreg s24  }
0xaf: {  	[dreg:$0x3] =	wrdreg s2  }
0xb0: {  	[dreg:$0x4] =	wrdreg $0xA8000  }
0xb1: {  	[dreg:$0x5] =	wrdreg $0x9  }
0xb2: {  	_ =	task.clear_ibuf [dreg:s7], $0x6FFFF;
	_ =	strace $0x90000049  }
0xb3: {  	s29 =	simm.s32 $0x9;
	_ =	strace $0x8000004B  }
0xb4: {  	_ =	swait.ge [sflag:s29], $0x1  }
0xb5: {  	[sflag:s29] =	ssyncadd.s32 $0xFFFFFFFF  }
0xb6: {  	_ =	strace $0x9000004B  }
0xb7: {  	_ =	sfence  }
0xb8: {  	s30 =	sld [smem:$0x0];
	_ =	sdelay $0x2  }
0xb9: {  	s31 =	sshll.u32 s1, $0xD;
	s1 =	sshrl.u32 s1, $0x2  }
0xba: {  	s3 =	sand.u32 $0x4000, s31;
	s1 =	sadd.s32 s1, s30  }
0xbb: {  	s0 =	sor.u32 s3, s0;
	s1 =	sshll.u32 s1, $0x11  }
0xbc: {  	s0 =	sor.u32 s1, s0  }
0xbd: {  	s0 =	sadd.s32 $0x8F2B, s0  }
0xbe: {  	[sflag:s0] =	ssyncadd.remote.s32 $0x1  }
0xbf: {  	_ =	sfence.sel $0xFFFF  }
0xc0: {  	[dreg:$0x0] =	wrdreg $0xFFFFFFFF;
	(pc) =	sbr.abs _section_cstart, $3  }
0xc1: {  	[dreg:$0x1] =	wrdreg $0xFFFFFFFF  }
0xc2: {  	_ =	task.clear_ibuf [dreg:s7], $0x2FFFF;
	_ =	strace $0x9FFFFFFF  }
0xc3: {  	(tm) =	ssettm $0x7FFFFFFF  }
tec
execute0_lowered:
.L_overlay_start_1:
0x0: {  	(tag) =	ssettag $0x1  }
0x1: {  	s5 =	rddreg [dreg:$0x0]  }
0x2: {  	s11 =	rddreg [dreg:$0x1]  }
0x3: {  	s1 =	rddreg [dreg:$0x2]  }
0x4: {  	s0 =	rddreg [dreg:$0x3]  }
0x5: {  	s2 =	simm.s32 $0x0;
	s3 =	srdreg.scid;
	s17 =	simm.s32 $0x2800  }
0x6: {  	s18 =	simm.s32 $0x1;
	s19 =	simm.s32 $0x6800;
	s20 =	simm.s32 $0x2  }
0x7: {  	s21 =	simm.s32 $0x1380;
	s22 =	simm.s32 $0x2700;
	s23 =	simm.s32 $0x2780  }
0x8: {  	s24 =	simm.s32 $0x0;
	[smem:$0x7FF] =	sst s2;
	s9 =	sadd.s32 $0x2000, s5  }
0x9: {  	s6 =	sand.u32 $0x1, s3;
	s10 =	sadd.s32 $0xC000, s5;
	s3 =	stileid.u32  }
0xa: {  	_ =	strace $0x8000004A;
	s4 =	sshll.u32 s6, $0x4;
	s12 =	smul.u32 $0x50000, s3  }
0xb: {  	s7 =	ssub.s32 $0x2, s6;
	s14 =	smul.u32 $0x140000, s6;
	s30 =	sshll.u32 s3, $0x6  }
0xc: {  	s31 =	smul.u32 $0x14000, s3;
	s8 =	sor.u32 s3, s4;
	s4 =	sadd.s32 $0x16000, s5  }
0xd: {  	s13 =	sshrl.u32 s7, $0x1;
	s5 =	sadd.s32 $0x3E000, s5;
	s6 =	sor.u32 $0x1C03, s30  }
0xe: {  	s8 =	smul.u32 $0x2800, s8;
	s29 =	sshrl.u32 s12, $0x2;
	s12 =	sadd.s32 s31, s14  }
0xf: {  	s13 =	ssub.s32 s7, s13;
	s14 =	simm.s32 $0x3;
	s12 =	sshrl.u32 s12, $0x3  }
0x10: {  	s15 =	sadd.s32 s29, s1;
	s8 =	sshrl.u32 s8, $0x3;
	s11 =	sadd.s32 s11, s12  }
0x11: {  	s12 =	smax.u32 s13, $0x1;
	s13 =	sshrl.u32 s15, $0x3;
	s15 =	simm.s32 $0x1400  }
0x12: {  	s7 =	sadd.s32 s9, s8;
	s16 =	sadd.s32 $0x280, s8;
	s8 =	sadd.s32 s10, s8  }
0x13: {  	s9 =	sadd.s32 s9, s16;
	s10 =	sadd.s32 s10, s16;
	s16 =	simm.s32 $0x80  }
.LBB2_1:
0x14: {  	[spmem:s13], [sflag:s6] =	dma.local [hbm:s5], $0x2800  }
0x15: {  	_ =	swait.ge [sflag:s14], $0x2800  }
0x16: {  	[sflag:s14] =	ssyncset.done $0x0  }
0x17: {  	[sflag:s14] =	ssyncadd.s32 $0xFFFFD800  }
0x18: {  	[bflag:$0x0] =	sbarrier.arrive $0xFFFF  }
0x19: {  	[tilespmem:s2], [sflag:$0x3] =	stream.linear.gather [hbm4b:s7+s2], $0x1400, $0x38;
	[tilespmem:$0x1E800] =	vst v63  }
0x1a: {  	_ =	swait.ge [sflag:s14], $0x1400  }
0x1b: {  	[sflag:s14] =	ssyncset.done $0x0  }
0x1c: {  	[sflag:s14] =	ssyncadd.s32 $0xFFFFEC00  }
0x1d: {  	[tilespmem:s15], [sflag:$0x3] =	stream.linear.gather [hbm4b:s8+s2], $0x1400, $0x38;
	[tilespmem:$0x1E800] =	vst v63  }
0x1e: {  	_ =	swait.ge [sflag:s14], $0x1400  }
0x1f: {  	[sflag:s14] =	ssyncset.done $0x0  }
0x20: {  	[sflag:s14] =	ssyncadd.s32 $0xFFFFEC00  }
0x21: {  	[tilespmem:s17], [sflag:$0x1] =	stream.indirect.gather [hbm4b:s4+s16], $0x80, s2, s16, $0xb8;
	[tilespmem:$0x1E800] =	vst v63  }
0x22: {  	_ =	swait.ge [sflag:s18], $0x4000  }
0x23: {  	[sflag:s18] =	ssyncset.done $0x0  }
0x24: {  	s25 =	simm.s32 $0x80;
	[sflag:s18] =	ssyncadd.s32 $0xFFFFC000  }
0x25: {  	[tilespmem:s19], [sflag:$0x2] =	stream.indirect.gather [hbm4b:s4+s16], $0x80, s25, s16, $0xb8;
	[tilespmem:$0x1E800] =	vst v63  }
0x26: {  	s29 =	simm.s32 $0x1400  }
0x27: {  	[spmem:s1] =	stream.indirect.scatter.add.f32 [tilespmem:s17], [sflag:$0x3], $0x80, s29, s16, $0xb8;
	[tilespmem:$0x1E800] =	vst v63  }
0x28: {  	_ =	swait.ge [sflag:s14], $0x4000  }
0x29: {  	[sflag:s14] =	ssyncset.done $0x0  }
0x2a: {  	[sflag:s14] =	ssyncadd.s32 $0xFFFFC000  }
0x2b: {  	_ =	swait.ge [sflag:s20], $0x4000  }
0x2c: {  	[sflag:s20] =	ssyncset.done $0x0  }
0x2d: {  	s30 =	simm.s32 $0x100;
	[sflag:s20] =	ssyncadd.s32 $0xFFFFC000  }
0x2e: {  	[tilespmem:s17], [sflag:$0x1] =	stream.indirect.gather [hbm4b:s4+s16], $0x80, s30, s16, $0xb8;
	[tilespmem:$0x1E800] =	vst v63  }
0x2f: {  	s31 =	simm.s32 $0x1480  }
0x30: {  	[spmem:s1] =	stream.indirect.scatter.add.f32 [tilespmem:s19], [sflag:$0x3], $0x80, s31, s16, $0xb8;
	[tilespmem:$0x1E800] =	vst v63  }
0x31: {  	_ =	swait.ge [sflag:s14], $0x4000  }
0x32: {  	s25 =	simm.s32 $0x400;
	[sflag:s14] =	ssyncset.done $0x0  }
.LBB2_2:
0x33: {  	p0 =	sne.s32 s25, $0x4800  }
0x34: {  	[sflag:s14] =	ssyncadd.s32 $0xFFFFC000;
	s26 =	smov.u32 s25;
	s25 =	sadd.s32 $0x400, s25  }
0x35: {  	_ = 	snop  }
0x36: {  	_ =	swait.ge [sflag:s18], $0x4000  }
0x37: {  	s26 =	sshra.s32 s26, $0x2;
	[sflag:s18] =	ssyncset.done $0x0  }
0x38: {  	s28 =	sadd.s32 $0x80, s26;
	[sflag:s18] =	ssyncadd.s32 $0xFFFFC000  }
0x39: {  	[tilespmem:s19], [sflag:$0x2] =	stream.indirect.gather [hbm4b:s4+s16], $0x80, s28, s16, $0xb8;
	[tilespmem:$0x1E800] =	vst v63  }
0x3a: {  	s28 =	sadd.s32 $0x1400, s26  }
0x3b: {  	[spmem:s1] =	stream.indirect.scatter.add.f32 [tilespmem:s17], [sflag:$0x3], $0x80, s28, s16, $0xb8;
	[tilespmem:$0x1E800] =	vst v63  }
0x3c: {  	_ =	swait.ge [sflag:s14], $0x4000  }
0x3d: {  	[sflag:s14] =	ssyncset.done $0x0  }
0x3e: {  	[sflag:s14] =	ssyncadd.s32 $0xFFFFC000  }
0x3f: {  	_ =	swait.ge [sflag:s20], $0x4000  }
0x40: {  	[sflag:s20] =	ssyncset.done $0x0  }
0x41: {  	s28 =	sadd.s32 $0x100, s26;
	[sflag:s20] =	ssyncadd.s32 $0xFFFFC000  }
0x42: {  	[tilespmem:s17], [sflag:$0x1] =	stream.indirect.gather [hbm4b:s4+s16], $0x80, s28, s16, $0xb8;
	[tilespmem:$0x1E800] =	vst v63  }
.Ltmp0:
0x43: {  	_ = 	snop;
	(pc) =	sbr.rel @p0 .LBB2_2-.Ltmp0, $4  }
0x44: {  	s26 =	sadd.s32 $0x1480, s26  }
0x45: {  	[spmem:s1] =	stream.indirect.scatter.add.f32 [tilespmem:s19], [sflag:$0x3], $0x80, s26, s16, $0xb8;
	[tilespmem:$0x1E800] =	vst v63  }
0x46: {  	_ =	swait.ge [sflag:s14], $0x4000  }
0x47: {  	[sflag:s14] =	ssyncset.done $0x0  }
0x48: {  	[sflag:s14] =	ssyncadd.s32 $0xFFFFC000  }
0x49: {  	_ =	swait.ge [sflag:s18], $0x4000  }
0x4a: {  	[sflag:s18] =	ssyncset.done $0x0  }
0x4b: {  	[sflag:s18] =	ssyncadd.s32 $0xFFFFC000  }
0x4c: {  	[tilespmem:s19], [sflag:$0x2] =	stream.indirect.gather [hbm4b:s4+s16], $0x80, s21, s16, $0xb8;
	[tilespmem:$0x1E800] =	vst v63  }
0x4d: {  	_ = 	snop  }
0x4e: {  	[spmem:s1] =	stream.indirect.scatter.add.f32 [tilespmem:s17], [sflag:$0x3], $0x80, s22, s16, $0xb8;
	[tilespmem:$0x1E800] =	vst v63  }
0x4f: {  	_ =	swait.ge [sflag:s14], $0x4000  }
0x50: {  	[sflag:s14] =	ssyncset.done $0x0  }
0x51: {  	[sflag:s14] =	ssyncadd.s32 $0xFFFFC000  }
0x52: {  	_ =	swait.ge [sflag:s20], $0x4000  }
0x53: {  	[sflag:s20] =	ssyncset.done $0x0  }
0x54: {  	[sflag:s20] =	ssyncadd.s32 $0xFFFFC000  }
0x55: {  	[spmem:s1] =	stream.indirect.scatter.add.f32 [tilespmem:s19], [sflag:$0x3], $0x80, s23, s16, $0xb8;
	[tilespmem:$0x1E800] =	vst v63  }
0x56: {  	_ =	swait.ge [sflag:s14], $0x4000  }
0x57: {  	[sflag:s14] =	ssyncset.done $0x0  }
0x58: {  	s25 =	simm.s32 $0x0;
	[sflag:s14] =	ssyncadd.s32 $0xFFFFC000  }
0x59: {  	[tilespmem:s25], [sflag:$0x3] =	stream.linear.gather [hbm4b:s9+s25], $0x1400, $0x38;
	[tilespmem:$0x1E800] =	vst v63  }
0x5a: {  	_ =	swait.ge [sflag:s14], $0x1400  }
0x5b: {  	[sflag:s14] =	ssyncset.done $0x0  }
0x5c: {  	[sflag:s14] =	ssyncadd.s32 $0xFFFFEC00  }
0x5d: {  	[tilespmem:s15], [sflag:$0x3] =	stream.linear.gather [hbm4b:s10+s25], $0x1400, $0x38;
	[tilespmem:$0x1E800] =	vst v63  }
0x5e: {  	_ =	swait.ge [sflag:s14], $0x1400  }
0x5f: {  	[sflag:s14] =	ssyncset.done $0x0  }
0x60: {  	[sflag:s14] =	ssyncadd.s32 $0xFFFFEC00  }
0x61: {  	[tilespmem:s17], [sflag:$0x1] =	stream.indirect.gather [hbm4b:s4+s16], $0x80, s25, s16, $0xb8;
	[tilespmem:$0x1E800] =	vst v63  }
0x62: {  	_ =	swait.ge [sflag:s18], $0x4000  }
0x63: {  	[sflag:s18] =	ssyncset.done $0x0  }
0x64: {  	s28 =	simm.s32 $0x80;
	[sflag:s18] =	ssyncadd.s32 $0xFFFFC000  }
0x65: {  	[tilespmem:s19], [sflag:$0x2] =	stream.indirect.gather [hbm4b:s4+s16], $0x80, s28, s16, $0xb8;
	[tilespmem:$0x1E800] =	vst v63  }
0x66: {  	s29 =	simm.s32 $0x1400  }
0x67: {  	[spmem:s1] =	stream.indirect.scatter.add.f32 [tilespmem:s17], [sflag:$0x3], $0x80, s29, s16, $0xb8;
	[tilespmem:$0x1E800] =	vst v63  }
0x68: {  	_ =	swait.ge [sflag:s14], $0x4000  }
0x69: {  	[sflag:s14] =	ssyncset.done $0x0  }
0x6a: {  	[sflag:s14] =	ssyncadd.s32 $0xFFFFC000  }
0x6b: {  	_ =	swait.ge [sflag:s20], $0x4000  }
0x6c: {  	[sflag:s20] =	ssyncset.done $0x0  }
0x6d: {  	s30 =	simm.s32 $0x100;
	[sflag:s20] =	ssyncadd.s32 $0xFFFFC000  }
0x6e: {  	[tilespmem:s17], [sflag:$0x1] =	stream.indirect.gather [hbm4b:s4+s16], $0x80, s30, s16, $0xb8;
	[tilespmem:$0x1E800] =	vst v63  }
0x6f: {  	s31 =	simm.s32 $0x1480  }
0x70: {  	[spmem:s1] =	stream.indirect.scatter.add.f32 [tilespmem:s19], [sflag:$0x3], $0x80, s31, s16, $0xb8;
	[tilespmem:$0x1E800] =	vst v63  }
0x71: {  	_ =	swait.ge [sflag:s14], $0x4000  }
0x72: {  	s25 =	simm.s32 $0x400;
	[sflag:s14] =	ssyncset.done $0x0  }
.LBB2_4:
0x73: {  	p0 =	sne.s32 s25, $0x4800  }
0x74: {  	[sflag:s14] =	ssyncadd.s32 $0xFFFFC000;
	s26 =	smov.u32 s25;
	s25 =	sadd.s32 $0x400, s25  }
0x75: {  	_ = 	snop  }
0x76: {  	_ =	swait.ge [sflag:s18], $0x4000  }
0x77: {  	s26 =	sshra.s32 s26, $0x2;
	[sflag:s18] =	ssyncset.done $0x0  }
0x78: {  	s28 =	sadd.s32 $0x80, s26;
	[sflag:s18] =	ssyncadd.s32 $0xFFFFC000  }
0x79: {  	[tilespmem:s19], [sflag:$0x2] =	stream.indirect.gather [hbm4b:s4+s16], $0x80, s28, s16, $0xb8;
	[tilespmem:$0x1E800] =	vst v63  }
0x7a: {  	s28 =	sadd.s32 $0x1400, s26  }
0x7b: {  	[spmem:s1] =	stream.indirect.scatter.add.f32 [tilespmem:s17], [sflag:$0x3], $0x80, s28, s16, $0xb8;
	[tilespmem:$0x1E800] =	vst v63  }
0x7c: {  	_ =	swait.ge [sflag:s14], $0x4000  }
0x7d: {  	[sflag:s14] =	ssyncset.done $0x0  }
0x7e: {  	[sflag:s14] =	ssyncadd.s32 $0xFFFFC000  }
0x7f: {  	_ =	swait.ge [sflag:s20], $0x4000  }
0x80: {  	[sflag:s20] =	ssyncset.done $0x0  }
0x81: {  	s28 =	sadd.s32 $0x100, s26;
	[sflag:s20] =	ssyncadd.s32 $0xFFFFC000  }
0x82: {  	[tilespmem:s17], [sflag:$0x1] =	stream.indirect.gather [hbm4b:s4+s16], $0x80, s28, s16, $0xb8;
	[tilespmem:$0x1E800] =	vst v63  }
.Ltmp1:
0x83: {  	_ = 	snop;
	(pc) =	sbr.rel @p0 .LBB2_4-.Ltmp1, $4  }
0x84: {  	s26 =	sadd.s32 $0x1480, s26  }
0x85: {  	[spmem:s1] =	stream.indirect.scatter.add.f32 [tilespmem:s19], [sflag:$0x3], $0x80, s26, s16, $0xb8;
	[tilespmem:$0x1E800] =	vst v63  }
0x86: {  	_ =	swait.ge [sflag:s14], $0x4000  }
0x87: {  	[sflag:s14] =	ssyncset.done $0x0  }
0x88: {  	[sflag:s14] =	ssyncadd.s32 $0xFFFFC000  }
0x89: {  	_ =	swait.ge [sflag:s18], $0x4000  }
0x8a: {  	[sflag:s18] =	ssyncset.done $0x0  }
0x8b: {  	[sflag:s18] =	ssyncadd.s32 $0xFFFFC000  }
0x8c: {  	[tilespmem:s19], [sflag:$0x2] =	stream.indirect.gather [hbm4b:s4+s16], $0x80, s21, s16, $0xb8;
	[tilespmem:$0x1E800] =	vst v63  }
0x8d: {  	_ = 	snop  }
0x8e: {  	[spmem:s1] =	stream.indirect.scatter.add.f32 [tilespmem:s17], [sflag:$0x3], $0x80, s22, s16, $0xb8;
	[tilespmem:$0x1E800] =	vst v63  }
0x8f: {  	_ =	swait.ge [sflag:s14], $0x4000  }
0x90: {  	[sflag:s14] =	ssyncset.done $0x0  }
0x91: {  	[sflag:s14] =	ssyncadd.s32 $0xFFFFC000  }
0x92: {  	_ =	swait.ge [sflag:s20], $0x4000  }
0x93: {  	[sflag:s20] =	ssyncset.done $0x0  }
0x94: {  	[sflag:s20] =	ssyncadd.s32 $0xFFFFC000  }
0x95: {  	[spmem:s1] =	stream.indirect.scatter.add.f32 [tilespmem:s19], [sflag:$0x3], $0x80, s23, s16, $0xb8;
	[tilespmem:$0x1E800] =	vst v63  }
0x96: {  	_ =	swait.ge [sflag:s14], $0x4000  }
0x97: {  	s24 =	sadd.s32 $0x1, s24;
	[sflag:s14] =	ssyncset.done $0x0  }
0x98: {  	p0 =	sne.s32 s24, s12;
	[sflag:s14] =	ssyncadd.s32 $0xFFFFC000  }
.Ltmp2:
0x99: {  	[bflag:$0x0] =	sbarrier.arrive $0xFFFF;
	(pc) =	sbr.rel @p0 .LBB2_1-.Ltmp2, $4  }
0x9a: {  	[hbm:s11], [sflag:s6] =	dma.local [spmem:s13], $0x2800  }
0x9b: {  	_ =	swait.ge [sflag:s14], $0x2800  }
0x9c: {  	[sflag:s14] =	ssyncset.done $0x0  }
0x9d: {  	[sflag:s14] =	ssyncadd.s32 $0xFFFFD800  }
0x9e: {  	_ =	sfence.sel $0x180000  }
0x9f: {  	[bflag:$0x0] =	sbarrier.arrive $0xFFFF  }
0xa0: {  	p0 =	sne.s32 s3, $0x0;
	_ =	strace $0x9000004A  }
0xa1: {  	s0 =	sadd.s32 @!p0 $0x100000, s0;
	[bflag:$0x2] =	sbarrier.arrive $0xFFFF  }
0xa2: {  	[sflag:s0] =	ssyncadd.tile.s32 @!p0 $0x1;
	_ =	shalt  }
.Lfunc_end2:
_tile_overlayer_lowered:
.L_overlay_start_2:
0xa3: {  	(tag) =	ssettag $0x2  }
0xa4: {  	s0 =	rddreg [dreg:$0x0];
	s2 =	stileid.u32  }
0xa5: {  	s1 =	rddreg [dreg:$0x1];
	p0 =	sne.s32 s2, $0x0  }
0xa6: {  	s3 =	rddreg [dreg:$0x2];
	[bflag:$0x3] =	sbarrier.arrive $0xFFFF;
	s2 =	simm.s32 @!p0 $0x1C03  }
0xa7: {  	[timem:s3], [sflag:s2] =	dma.local @!p0 [hbm:s0], s1  }
0xa8: {  	s0 =	simm.s32 @!p0 $0x3  }
0xa9: {  	_ =	swait.ge @!p0 [sflag:s0], s1  }
0xaa: {  	s1 =	ssub.s32 @!p0 $0x0, s1;
	[sflag:s0] =	ssyncset.done @!p0 $0x0  }
0xab: {  	[sflag:s0] =	ssyncadd.s32 @!p0 s1  }
0xac: {  	[bflag:$0x3] =	sbarrier.arrive $0xFFFF  }
0xad: {  	_ =	shalt  }

// kernel: kernel.13.cloned.1.call-start
scs
__scs_entry_jumppad:
0x0: {  	(pc) =	sbr.rel $0x88, $3  }
0x1: {  	(tag) =	ssettag $0x0;
	lr =	simm.s32 $0x1  }
0x2: {  	[smem:$0x3F9C] =	sst lr;
	_ =	strace $0xD0000000  }
0x3: {  	_ = 	snop  }
0x4: {  	_ = 	snop  }
0x5: {  	_ = 	snop  }
0x6: {  	_ = 	snop  }
0x7: {  	_ = 	snop  }
__scs_overlays_trampoline_lowered:
0x8: {  	[smem:$0x3FAB] =	sst s0  }
0x9: {  	[smem:$0x3FAC] =	sst s1  }
0xa: {  	[smem:$0x3FAD] =	sst s2  }
0xb: {  	[smem:$0x3FAE] =	sst s3  }
0xc: {  	[smem:$0x3FAF] =	sst s4  }
0xd: {  	[smem:$0x3FB0] =	sst s5  }
0xe: {  	[smem:$0x3FB1] =	sst s6  }
0xf: {  	[smem:$0x3FB2] =	sst s7  }
0x10: {  	[smem:$0x3FB3] =	sst s8  }
0x11: {  	[smem:$0x3FB4] =	sst s9;
	s0 =	simm.s32 @!p0 $0x0  }
0x12: {  	s1 =	sld [smem:$0x3F9A];
	s0 =	simm.s32 @p0 $0x1  }
0x13: {  	[smem:$0x3FB5] =	sst s0;
	s0 =	simm.s32 @!p1 $0x0  }
0x14: {  	s2 =	sld [smem:$0x3F99];
	s0 =	simm.s32 @p1 $0x1  }
0x15: {  	[smem:$0x3FB6] =	sst s0;
	s0 =	simm.s32 @!p2 $0x0  }
0x16: {  	s3 =	sld [smem:$0x3FDB];
	s0 =	simm.s32 @p2 $0x1  }
0x17: {  	s4 =	simm.s32 $0x1BF5;
	[smem:$0x3FB8] =	sst s0  }
0x18: {  	s0 =	sld [smem:$0x3F9B];
	_ =	swait.ge [sflag:s4], $0x0  }
0x19: {  	s7 =	sld [smem:$0x3F9C]  }
0x1a: {  	s8 =	sadd.s32 $0xFFFFE003, lr  }
0x1b: {  	s9 =	sadd.s32 $0xFFFFFEF7, lr;
	s5 =	simm.s32 $0xFFFFFFFF;
	p2 =	slt.u32 s8, $0xFFFFF086  }
0x1c: {  	p1 =	slt.u32 s9, $0xF7A;
	s5 =	simm.s32 @!p2 $0x0  }
0x1d: {  	s5 =	simm.s32 @p1 $0x1;
	p0 =	seq.s32 s7, s2  }
0x1e: {  	s7 =	smul.u32 @!p0 $0xF7A, s2;
	p2 =	seq.s32 @!p0 s5, $0x0  }
0x1f: {  	s9 =	smul.u32 $0xF7A, s1;
	s8 =	simm.s32 @!p0 $0x1BF5;
	p2 =	por !p2, p0  }
0x20: {  	[sflag:s8] =	ssyncset.s32 @!p0 $0xFFFFF086;
	s6 =	sadd.s32 @!p0 s3, s7;
	s7 =	simm.s32 @!p0 $0x108  }
0x21: {  	s3 =	sadd.s32 s3, s9;
	s6 =	sadd.s32 @!p0 $0x88, s6;
	s7 =	simm.s32 @p2 $0x1082  }
0x22: {  	[simem:s7], [sflag:s8] =	dma.local @!p0 [hbm:s6], $0xF7A  }
0x23: {  	s9 =	sor.u32 $0xD0000000, s2;
	s6 =	simm.s32 $0x108;
	_ =	swait.ge @!p0 [sflag:s8], $0x0  }
0x24: {  	s3 =	sadd.s32 $0x88, s3;
	s6 =	simm.s32 @!p1 $0x1082;
	[sflag:s4] =	ssyncset.s32 $0xFFFFF086  }
0x25: {  	[simem:s6], [sflag:s4] =	dma.local [hbm:s3], $0xF7A  }
0x26: {  	[smem:$0x3F9C] =	sst s1;
	(tag) =	ssettag s2;
	_ =	strace s9  }
0x27: {  	s1 =	sld [smem:$0x3FAC]  }
0x28: {  	s2 =	sld [smem:$0x3FAD]  }
0x29: {  	s4 =	sld [smem:$0x3FAF]  }
0x2a: {  	p0 =	seq.s32 s5, $0x0;
	s5 =	sld [smem:$0x3FB0]  }
0x2b: {  	s6 =	sld [smem:$0x3FB1]  }
0x2c: {  	s7 =	sld [smem:$0x3FB2]  }
0x2d: {  	s3 =	simm.s32 $0x108;
	s8 =	sld [smem:$0x3FB3]  }
0x2e: {  	s3 =	simm.s32 @!p0 $0x1082;
	s9 =	sld [smem:$0x3FB4]  }
0x2f: {  	lr =	sadd.s32 s0, s3;
	s0 =	sld [smem:$0x3FAB]  }
0x30: {  	s3 =	sld [smem:$0x3FAE]  }
0x31: {  	[smem:$0x3FB7] =	sst s10  }
0x32: {  	s10 =	sld [smem:$0x3FB5];
	_ =	sdelay $0x3  }
0x33: {  	p0 =	seq.s32 s10, $0x1;
	s10 =	sld [smem:$0x3FB7];
	_ =	sdelay $0x3  }
0x34: {  	[smem:$0x3FB7] =	sst s10  }
0x35: {  	s10 =	sld [smem:$0x3FB6];
	_ =	sdelay $0x3  }
0x36: {  	p1 =	seq.s32 s10, $0x1;
	s10 =	sld [smem:$0x3FB7];
	_ =	sdelay $0x3  }
0x37: {  	[smem:$0x3FB7] =	sst s10  }
0x38: {  	s10 =	sld [smem:$0x3FB8]  }
0x39: {  	_ = 	snop;
	(pc) =	sbr.ind lr, $3  }
0x3a: {  	_ = 	snop  }
0x3b: {  	_ = 	snop  }
0x3c: {  	p2 =	seq.s32 s10, $0x1;
	s10 =	sld [smem:$0x3FB7]  }
0x3d: {  	_ =	shalt  }
0x3e: {  	_ =	shalt  }
0x3f: {  	_ =	shalt  }
0x40: {  	_ =	shalt  }
0x41: {  	_ =	shalt  }
0x42: {  	_ =	shalt  }
0x43: {  	_ =	shalt  }
0x44: {  	_ =	shalt  }
0x45: {  	_ =	shalt  }
0x46: {  	_ =	shalt  }
0x47: {  	_ =	shalt  }
0x48: {  	_ =	shalt  }
0x49: {  	_ =	shalt  }
0x4a: {  	_ =	shalt  }
0x4b: {  	_ =	shalt  }
0x4c: {  	_ =	shalt  }
0x4d: {  	_ =	shalt  }
0x4e: {  	_ =	shalt  }
0x4f: {  	_ =	shalt  }
0x50: {  	_ =	shalt  }
0x51: {  	_ =	shalt  }
0x52: {  	_ =	shalt  }
0x53: {  	_ =	shalt  }
0x54: {  	_ =	shalt  }
0x55: {  	_ =	shalt  }
0x56: {  	_ =	shalt  }
0x57: {  	_ =	shalt  }
0x58: {  	_ =	shalt  }
0x59: {  	_ =	shalt  }
0x5a: {  	_ =	shalt  }
0x5b: {  	_ =	shalt  }
0x5c: {  	_ =	shalt  }
0x5d: {  	_ =	shalt  }
0x5e: {  	_ =	shalt  }
0x5f: {  	_ =	shalt  }
0x60: {  	_ =	shalt  }
0x61: {  	_ =	shalt  }
0x62: {  	_ =	shalt  }
0x63: {  	_ =	shalt  }
0x64: {  	_ =	shalt  }
0x65: {  	_ =	shalt  }
0x66: {  	_ =	shalt  }
0x67: {  	_ =	shalt  }
0x68: {  	_ =	shalt  }
0x69: {  	_ =	shalt  }
0x6a: {  	_ =	shalt  }
0x6b: {  	_ =	shalt  }
0x6c: {  	_ =	shalt  }
0x6d: {  	_ =	shalt  }
0x6e: {  	_ =	shalt  }
0x6f: {  	_ =	shalt  }
0x70: {  	_ =	shalt  }
0x71: {  	_ =	shalt  }
0x72: {  	_ =	shalt  }
0x73: {  	_ =	shalt  }
0x74: {  	_ =	shalt  }
0x75: {  	_ =	shalt  }
0x76: {  	_ =	shalt  }
0x77: {  	_ =	shalt  }
0x78: {  	_ =	shalt  }
0x79: {  	_ =	shalt  }
0x7a: {  	_ =	shalt  }
0x7b: {  	_ =	shalt  }
0x7c: {  	_ =	shalt  }
0x7d: {  	_ =	shalt  }
0x7e: {  	_ =	shalt  }
0x7f: {  	_ =	shalt  }
0x80: {  	_ =	shalt  }
0x81: {  	_ =	shalt  }
0x82: {  	_ =	shalt  }
0x83: {  	_ =	shalt  }
0x84: {  	_ =	shalt  }
0x85: {  	_ =	shalt  }
0x86: {  	_ =	shalt  }
0x87: {  	_ =	shalt  }
.Lfunc_end0:
.L_simem_size_0:
called_computation.3_lowered:
.L_overlay_start_0:
0x88: {  	s2 =	sld [smem:$0x3FD9]  }
0x89: {  	s3 =	sld [smem:$0x3FFE];
	_ =	sdelay $0x1  }
0x8a: {  	s1 =	srdreg.scid  }
0x8b: {  	s0 =	sand.u32 $0x1, s1  }
0x8c: {  	s17 =	sshll.u32 s0, $0xA;
	s2 =	sadd.s32 s3, s2  }
0x8d: {  	s2 =	sadd.s32 s2, s17  }
0x8e: {  	[smem:$0x3FC3] =	sst s2  }
0x8f: {  	_ = 	snop  }
0x90: {  	s2 =	sld [smem:$0x3FD0];
	(tm) =	ssettm $0x1  }
0x91: {  	s18 =	sld [smem:$0x3FFB];
	_ =	sdelay $0x3  }
0x92: {  	_ =	strace s18  }
0x93: {  	s3 =	sld [smem:$0x3FFC];
	_ =	sdelay $0x3  }
0x94: {  	_ =	strace s3  }
0x95: {  	s3 =	sld [smem:$0x3FFD];
	_ =	sdelay $0x3  }
0x96: {  	_ =	strace s3  }
0x97: {  	_ =	strace $0x8FFFFFFF  }
0x98: {  	s19 =	sld [smem:$0x3FDB];
	_ =	sdelay $0x1  }
0x99: {  	s4 =	simm.s32 $_scs_section_size  }
0x9a: {  	s5 =	simm.s32 $_size__tile_overlayer_lowered;
	s6 =	simm.s32 $_tile_overlayer_lowered  }
0x9b: {  	s22 =	simm.s32 $0x1BFF;
	s21 =	sshll.u32 s6, $0x1;
	s3 =	sadd.s32 s4, s19  }
0x9c: {  	s7 =	simm.s32 $0x0;
	s20 =	sshll.u32 s5, $0x1;
	s5 =	sadd.s32 s21, s3  }
0x9d: {  	[timem:s7], [sflag:s22] =	dma.local [hbm:s5], s20  }
0x9e: {  	_ =	swait.ge [sflag:s22], s20  }
0x9f: {  	s4 =	ssub.s32 $0x0, s20;
	[sflag:s22] =	ssyncset.done $0x0  }
0xa0: {  	[sflag:s22] =	ssyncadd.s32 s4;
	_ =	sdelay $0x1  }
0xa1: {  	s23 =	simm.s32 $0x1B8B  }
0xa2: {  	_ =	swait.ge [sflag:s23], $0x1  }
0xa3: {  	[sflag:s23] =	ssyncset.done $0x0  }
0xa4: {  	s25 =	simm.s32 $0x1B8E;
	s24 =	sld [smem:$0x3FFE];
	[sflag:s23] =	ssyncadd.s32 $0xFFFFFFFF  }
0xa5: {  	s26 =	simm.s32 $execute0_lowered;
	[smem:$0x3FD2] =	sst s25  }
0xa6: {  	s5 =	sshll.u32 s26, $0x1;
	_ =	strace $0x8000004C;
	[dreg:$0x1] =	wrdreg $0xFFFFFFFF  }
0xa7: {  	s28 =	simm.s32 $_size_execute0_lowered;
	s3 =	sadd.s32 s3, s5;
	[dreg:$0x0] =	wrdreg $0x0  }
0xa8: {  	s5 =	sshll.u32 s28, $0x1;
	[dreg:$0x2] =	wrdreg s3  }
0xa9: {  	[dreg:$0x3] =	wrdreg s5  }
0xaa: {  	[dreg:$0x4] =	wrdreg $0xC0  }
0xab: {  	_ =	task [dreg:s7], $0x5FFFF  }
0xac: {  	[dreg:$0x1] =	wrdreg $0xFFFFFFFF  }
0xad: {  	[dreg:$0x0] =	wrdreg $0x60  }
0xae: {  	[dreg:$0x2] =	wrdreg s24  }
0xaf: {  	[dreg:$0x3] =	wrdreg s2  }
0xb0: {  	[dreg:$0x4] =	wrdreg $0x9  }
0xb1: {  	_ =	task.clear_ibuf [dreg:s7], $0x5FFFF;
	_ =	strace $0x9000004C  }
0xb2: {  	s29 =	simm.s32 $0x9;
	_ =	strace $0x8000004E  }
0xb3: {  	_ =	swait.ge [sflag:s29], $0x1  }
0xb4: {  	[sflag:s29] =	ssyncadd.s32 $0xFFFFFFFF  }
0xb5: {  	_ =	strace $0x9000004E  }
0xb6: {  	_ =	sfence  }
0xb7: {  	s30 =	sld [smem:$0x0];
	_ =	sdelay $0x2  }
0xb8: {  	s31 =	sshll.u32 s1, $0xD;
	s1 =	sshrl.u32 s1, $0x2  }
0xb9: {  	s3 =	sand.u32 $0x4000, s31;
	s1 =	sadd.s32 s1, s30  }
0xba: {  	s0 =	sor.u32 s3, s0;
	s1 =	sshll.u32 s1, $0x11  }
0xbb: {  	s0 =	sor.u32 s1, s0  }
0xbc: {  	s0 =	sadd.s32 $0x8F2B, s0  }
0xbd: {  	[sflag:s0] =	ssyncadd.remote.s32 $0x1  }
0xbe: {  	_ =	sfence.sel $0xFFFF  }
0xbf: {  	[dreg:$0x0] =	wrdreg $0xFFFFFFFF;
	(pc) =	sbr.abs _section_cstart, $3  }
0xc0: {  	[dreg:$0x1] =	wrdreg $0xFFFFFFFF  }
0xc1: {  	_ =	task.clear_ibuf [dreg:s7], $0x2FFFF;
	_ =	strace $0x9FFFFFFF  }
0xc2: {  	(tm) =	ssettm $0x7FFFFFFF  }
0xc3: {  	_ =	shalt  }
tec
execute0_lowered:
.L_overlay_start_1:
0x0: {  	(tag) =	ssettag $0x1  }
0x1: {  	s4 =	rddreg [dreg:$0x0]  }
0x2: {  	s8 =	rddreg [dreg:$0x1]  }
0x3: {  	s1 =	srdreg.scid;
	s0 =	rddreg [dreg:$0x2];
	s2 =	simm.s32 $0x0  }
0x4: {  	s11 =	simm.s32 $0x1000;
	s12 =	simm.s32 $0x1;
	s13 =	simm.s32 $0x5000  }
0x5: {  	s14 =	simm.s32 $0x2;
	s15 =	simm.s32 $0xC80;
	s16 =	simm.s32 $0x0  }
0x6: {  	s5 =	sand.u32 $0x1, s1;
	[smem:$0x7FF] =	sst s2;
	s1 =	stileid.u32  }
0x7: {  	s3 =	sshll.u32 s5, $0x4;
	_ =	strace $0x8000004D;
	s30 =	smul.u32 $0xD0000, s5  }
0x8: {  	s9 =	ssub.s32 $0x2, s5;
	s10 =	smul.u32 $0xD000, s1;
	s6 =	sor.u32 s1, s3  }
0x9: {  	s29 =	sshrl.u32 s9, $0x1;
	s7 =	sshll.u32 s6, $0x9;
	s6 =	smul.u32 $0xD000, s6  }
0xa: {  	s3 =	sadd.s32 $0x2000, s4;
	s4 =	sadd.s32 s7, s4;
	s7 =	ssub.s32 s9, s29  }
0xb: {  	s9 =	simm.s32 $0x3;
	s4 =	sadd.s32 $0x40800, s4;
	s31 =	sadd.s32 s8, s6  }
0xc: {  	s5 =	smax.u32 s7, $0x1;
	s8 =	sadd.s32 s30, s8;
	s6 =	sadd.s32 $0xC000, s31  }
0xd: {  	s7 =	sadd.s32 $0xC800, s31;
	s8 =	sadd.s32 s10, s8;
	s10 =	simm.s32 $0x80  }
.LBB2_1:
0xe: {  	[tilespmem:s2], [sflag:$0x3] =	stream.linear.gather [hbm4b:s4+s2], $0xD00, $0x38;
	[tilespmem:$0x9000] =	vst v63  }
0xf: {  	_ =	swait.ge [sflag:s9], $0xD00  }
0x10: {  	[sflag:s9] =	ssyncset.done $0x0  }
0x11: {  	[sflag:s9] =	ssyncadd.s32 $0xFFFFF300  }
0x12: {  	[tilespmem:s11], [sflag:$0x1] =	stream.indirect.gather [hbm4b:s3+s10], $0x80, s2, s10, $0xb8;
	[tilespmem:$0x9000] =	vst v63  }
0x13: {  	_ =	swait.ge [sflag:s12], $0x4000  }
0x14: {  	[sflag:s12] =	ssyncset.done $0x0  }
0x15: {  	s17 =	simm.s32 $0x80;
	[sflag:s12] =	ssyncadd.s32 $0xFFFFC000  }
0x16: {  	[tilespmem:s13], [sflag:$0x2] =	stream.indirect.gather [hbm4b:s3+s10], $0x80, s17, s10, $0xb8;
	[tilespmem:$0x9000] =	vst v63  }
0x17: {  	s18 =	sadd.s32 $0x0, s8  }
0x18: {  	[hbm4b:s18+s2] =	stream.linear.scatter [tilespmem:s11], [sflag:$0x3], $0x4000, $0x38;
	[tilespmem:$0x9000] =	vst v63  }
0x19: {  	_ =	swait.ge [sflag:s9], $0x4000  }
0x1a: {  	[sflag:s9] =	ssyncset.done $0x0  }
0x1b: {  	[sflag:s9] =	ssyncadd.s32 $0xFFFFC000  }
0x1c: {  	_ =	swait.ge [sflag:s14], $0x4000  }
0x1d: {  	[sflag:s14] =	ssyncset.done $0x0  }
0x1e: {  	s17 =	simm.s32 $0x100;
	[sflag:s14] =	ssyncadd.s32 $0xFFFFC000  }
0x1f: {  	[tilespmem:s11], [sflag:$0x1] =	stream.indirect.gather [hbm4b:s3+s10], $0x80, s17, s10, $0xb8;
	[tilespmem:$0x9000] =	vst v63  }
0x20: {  	s18 =	sadd.s32 $0x800, s18  }
0x21: {  	[hbm4b:s18+s2] =	stream.linear.scatter [tilespmem:s13], [sflag:$0x3], $0x4000, $0x38;
	[tilespmem:$0x9000] =	vst v63  }
0x22: {  	_ =	swait.ge [sflag:s9], $0x4000  }
0x23: {  	s18 =	simm.s32 $0x1000;
	[sflag:s9] =	ssyncset.done $0x0  }
.LBB2_2:
0x24: {  	p0 =	sne.s32 s18, $0xB000;
	[sflag:s9] =	ssyncadd.s32 $0xFFFFC000;
	s17 =	sadd.s32 $0x100, s17  }
0x25: {  	s19 =	smov.u32 s18;
	s18 =	sadd.s32 $0x1000, s18  }
0x26: {  	_ =	swait.ge [sflag:s12], $0x4000  }
0x27: {  	[sflag:s12] =	ssyncset.done $0x0  }
0x28: {  	s20 =	sadd.s32 $0xFFFFFF80, s17;
	[sflag:s12] =	ssyncadd.s32 $0xFFFFC000  }
0x29: {  	[tilespmem:s13], [sflag:$0x2] =	stream.indirect.gather [hbm4b:s3+s10], $0x80, s20, s10, $0xb8;
	[tilespmem:$0x9000] =	vst v63  }
0x2a: {  	s19 =	sadd.s32 s19, s8  }
0x2b: {  	[hbm4b:s19+s2] =	stream.linear.scatter [tilespmem:s11], [sflag:$0x3], $0x4000, $0x38;
	[tilespmem:$0x9000] =	vst v63  }
0x2c: {  	_ =	swait.ge [sflag:s9], $0x4000  }
0x2d: {  	[sflag:s9] =	ssyncset.done $0x0  }
0x2e: {  	[sflag:s9] =	ssyncadd.s32 $0xFFFFC000  }
0x2f: {  	_ =	swait.ge [sflag:s14], $0x4000  }
0x30: {  	[sflag:s14] =	ssyncset.done $0x0  }
0x31: {  	[sflag:s14] =	ssyncadd.s32 $0xFFFFC000  }
0x32: {  	[tilespmem:s11], [sflag:$0x1] =	stream.indirect.gather [hbm4b:s3+s10], $0x80, s17, s10, $0xb8;
	[tilespmem:$0x9000] =	vst v63  }
.Ltmp0:
0x33: {  	_ = 	snop;
	(pc) =	sbr.rel @p0 .LBB2_2-.Ltmp0, $4  }
0x34: {  	s19 =	sadd.s32 $0x800, s19  }
0x35: {  	[hbm4b:s19+s2] =	stream.linear.scatter [tilespmem:s13], [sflag:$0x3], $0x4000, $0x38;
	[tilespmem:$0x9000] =	vst v63  }
0x36: {  	_ =	swait.ge [sflag:s9], $0x4000  }
0x37: {  	[sflag:s9] =	ssyncset.done $0x0  }
0x38: {  	[sflag:s9] =	ssyncadd.s32 $0xFFFFC000  }
0x39: {  	_ =	swait.ge [sflag:s12], $0x4000  }
0x3a: {  	[sflag:s12] =	ssyncset.done $0x0  }
0x3b: {  	[sflag:s12] =	ssyncadd.s32 $0xFFFFC000  }
0x3c: {  	[tilespmem:s13], [sflag:$0x2] =	stream.indirect.gather [hbm4b:s3+s10], $0x80, s15, s10, $0xb8;
	[tilespmem:$0x9000] =	vst v63  }
0x3d: {  	_ = 	snop  }
0x3e: {  	[hbm4b:s6+s2] =	stream.linear.scatter [tilespmem:s11], [sflag:$0x3], $0x4000, $0x38;
	[tilespmem:$0x9000] =	vst v63  }
0x3f: {  	_ =	swait.ge [sflag:s9], $0x4000  }
0x40: {  	[sflag:s9] =	ssyncset.done $0x0  }
0x41: {  	[sflag:s9] =	ssyncadd.s32 $0xFFFFC000  }
0x42: {  	s16 =	sadd.s32 $0x1, s16;
	_ =	swait.ge [sflag:s14], $0x4000  }
0x43: {  	p0 =	sne.s32 s16, s5;
	[sflag:s14] =	ssyncset.done $0x0  }
.Ltmp1:
0x44: {  	[sflag:s14] =	ssyncadd.s32 $0xFFFFC000;
	(pc) =	sbr.rel @p0 .LBB2_1-.Ltmp1, $4  }
0x45: {  	[hbm4b:s7+s2] =	stream.linear.scatter [tilespmem:s13], [sflag:$0x3], $0x4000, $0x38;
	[tilespmem:$0x9000] =	vst v63  }
0x46: {  	_ =	swait.ge [sflag:s9], $0x4000  }
0x47: {  	[sflag:s9] =	ssyncset.done $0x0  }
0x48: {  	[sflag:s9] =	ssyncadd.s32 $0xFFFFC000  }
0x49: {  	_ =	sfence.sel $0x180000  }
0x4a: {  	[bflag:$0x0] =	sbarrier.arrive $0xFFFF  }
0x4b: {  	p0 =	sne.s32 s1, $0x0;
	_ =	strace $0x9000004D  }
0x4c: {  	s0 =	sadd.s32 @!p0 $0x100000, s0;
	[bflag:$0x2] =	sbarrier.arrive $0xFFFF  }
0x4d: {  	[sflag:s0] =	ssyncadd.tile.s32 @!p0 $0x1;
	_ =	shalt  }
.Lfunc_end2:
_tile_overlayer_lowered:
.L_overlay_start_2:
0x4e: {  	(tag) =	ssettag $0x2  }
0x4f: {  	s0 =	rddreg [dreg:$0x0];
	s2 =	stileid.u32  }
0x50: {  	s1 =	rddreg [dreg:$0x1];
	p0 =	sne.s32 s2, $0x0  }
0x51: {  	s3 =	rddreg [dreg:$0x2];
	[bflag:$0x3] =	sbarrier.arrive $0xFFFF;
	s2 =	simm.s32 @!p0 $0x1C03  }
0x52: {  	[timem:s3], [sflag:s2] =	dma.local @!p0 [hbm:s0], s1  }
0x53: {  	s0 =	simm.s32 @!p0 $0x3  }
0x54: {  	_ =	swait.ge @!p0 [sflag:s0], s1  }
0x55: {  	s1 =	ssub.s32 @!p0 $0x0, s1;
	[sflag:s0] =	ssyncset.done @!p0 $0x0  }
0x56: {  	[sflag:s0] =	ssyncadd.s32 @!p0 s1  }
0x57: {  	[bflag:$0x3] =	sbarrier.arrive $0xFFFF  }
0x58: {  	_ =	shalt  }

// kernel: kernel.7.cloned.1.call-start
scs
__scs_entry_jumppad:
0x0: {  	(pc) =	sbr.rel $0x88, $3  }
0x1: {  	(tag) =	ssettag $0x0;
	lr =	simm.s32 $0x1  }
0x2: {  	[smem:$0x3F9C] =	sst lr;
	_ =	strace $0xD0000000  }
0x3: {  	_ = 	snop  }
0x4: {  	_ = 	snop  }
0x5: {  	_ = 	snop  }
0x6: {  	_ = 	snop  }
0x7: {  	_ = 	snop  }
__scs_overlays_trampoline_lowered:
0x8: {  	[smem:$0x3FAB] =	sst s0  }
0x9: {  	[smem:$0x3FAC] =	sst s1  }
0xa: {  	[smem:$0x3FAD] =	sst s2  }
0xb: {  	[smem:$0x3FAE] =	sst s3  }
0xc: {  	[smem:$0x3FAF] =	sst s4  }
0xd: {  	[smem:$0x3FB0] =	sst s5  }
0xe: {  	[smem:$0x3FB1] =	sst s6  }
0xf: {  	[smem:$0x3FB2] =	sst s7  }
0x10: {  	[smem:$0x3FB3] =	sst s8  }
0x11: {  	[smem:$0x3FB4] =	sst s9;
	s0 =	simm.s32 @!p0 $0x0  }
0x12: {  	s1 =	sld [smem:$0x3F9A];
	s0 =	simm.s32 @p0 $0x1  }
0x13: {  	[smem:$0x3FB5] =	sst s0;
	s0 =	simm.s32 @!p1 $0x0  }
0x14: {  	s2 =	sld [smem:$0x3F99];
	s0 =	simm.s32 @p1 $0x1  }
0x15: {  	[smem:$0x3FB6] =	sst s0;
	s0 =	simm.s32 @!p2 $0x0  }
0x16: {  	s3 =	sld [smem:$0x3FDB];
	s0 =	simm.s32 @p2 $0x1  }
0x17: {  	s4 =	simm.s32 $0x1BF5;
	[smem:$0x3FB8] =	sst s0  }
0x18: {  	s0 =	sld [smem:$0x3F9B];
	_ =	swait.ge [sflag:s4], $0x0  }
0x19: {  	s7 =	sld [smem:$0x3F9C]  }
0x1a: {  	s8 =	sadd.s32 $0xFFFFE003, lr  }
0x1b: {  	s9 =	sadd.s32 $0xFFFFFEF7, lr;
	s5 =	simm.s32 $0xFFFFFFFF;
	p2 =	slt.u32 s8, $0xFFFFF086  }
0x1c: {  	p1 =	slt.u32 s9, $0xF7A;
	s5 =	simm.s32 @!p2 $0x0  }
0x1d: {  	s5 =	simm.s32 @p1 $0x1;
	p0 =	seq.s32 s7, s2  }
0x1e: {  	s7 =	smul.u32 @!p0 $0xF7A, s2;
	p2 =	seq.s32 @!p0 s5, $0x0  }
0x1f: {  	s9 =	smul.u32 $0xF7A, s1;
	s8 =	simm.s32 @!p0 $0x1BF5;
	p2 =	por !p2, p0  }
0x20: {  	[sflag:s8] =	ssyncset.s32 @!p0 $0xFFFFF086;
	s6 =	sadd.s32 @!p0 s3, s7;
	s7 =	simm.s32 @!p0 $0x108  }
0x21: {  	s3 =	sadd.s32 s3, s9;
	s6 =	sadd.s32 @!p0 $0x88, s6;
	s7 =	simm.s32 @p2 $0x1082  }
0x22: {  	[simem:s7], [sflag:s8] =	dma.local @!p0 [hbm:s6], $0xF7A  }
0x23: {  	s9 =	sor.u32 $0xD0000000, s2;
	s6 =	simm.s32 $0x108;
	_ =	swait.ge @!p0 [sflag:s8], $0x0  }
0x24: {  	s3 =	sadd.s32 $0x88, s3;
	s6 =	simm.s32 @!p1 $0x1082;
	[sflag:s4] =	ssyncset.s32 $0xFFFFF086  }
0x25: {  	[simem:s6], [sflag:s4] =	dma.local [hbm:s3], $0xF7A  }
0x26: {  	[smem:$0x3F9C] =	sst s1;
	(tag) =	ssettag s2;
	_ =	strace s9  }
0x27: {  	s1 =	sld [smem:$0x3FAC]  }
0x28: {  	s2 =	sld [smem:$0x3FAD]  }
0x29: {  	s4 =	sld [smem:$0x3FAF]  }
0x2a: {  	p0 =	seq.s32 s5, $0x0;
	s5 =	sld [smem:$0x3FB0]  }
0x2b: {  	s6 =	sld [smem:$0x3FB1]  }
0x2c: {  	s7 =	sld [smem:$0x3FB2]  }
0x2d: {  	s3 =	simm.s32 $0x108;
	s8 =	sld [smem:$0x3FB3]  }
0x2e: {  	s3 =	simm.s32 @!p0 $0x1082;
	s9 =	sld [smem:$0x3FB4]  }
0x2f: {  	lr =	sadd.s32 s0, s3;
	s0 =	sld [smem:$0x3FAB]  }
0x30: {  	s3 =	sld [smem:$0x3FAE]  }
0x31: {  	[smem:$0x3FB7] =	sst s10  }
0x32: {  	s10 =	sld [smem:$0x3FB5];
	_ =	sdelay $0x3  }
0x33: {  	p0 =	seq.s32 s10, $0x1;
	s10 =	sld [smem:$0x3FB7];
	_ =	sdelay $0x3  }
0x34: {  	[smem:$0x3FB7] =	sst s10  }
0x35: {  	s10 =	sld [smem:$0x3FB6];
	_ =	sdelay $0x3  }
0x36: {  	p1 =	seq.s32 s10, $0x1;
	s10 =	sld [smem:$0x3FB7];
	_ =	sdelay $0x3  }
0x37: {  	[smem:$0x3FB7] =	sst s10  }
0x38: {  	s10 =	sld [smem:$0x3FB8]  }
0x39: {  	_ = 	snop;
	(pc) =	sbr.ind lr, $3  }
0x3a: {  	_ = 	snop  }
0x3b: {  	_ = 	snop  }
0x3c: {  	p2 =	seq.s32 s10, $0x1;
	s10 =	sld [smem:$0x3FB7]  }
0x3d: {  	_ =	shalt  }
0x3e: {  	_ =	shalt  }
0x3f: {  	_ =	shalt  }
0x40: {  	_ =	shalt  }
0x41: {  	_ =	shalt  }
0x42: {  	_ =	shalt  }
0x43: {  	_ =	shalt  }
0x44: {  	_ =	shalt  }
0x45: {  	_ =	shalt  }
0x46: {  	_ =	shalt  }
0x47: {  	_ =	shalt  }
0x48: {  	_ =	shalt  }
0x49: {  	_ =	shalt  }
0x4a: {  	_ =	shalt  }
0x4b: {  	_ =	shalt  }
0x4c: {  	_ =	shalt  }
0x4d: {  	_ =	shalt  }
0x4e: {  	_ =	shalt  }
0x4f: {  	_ =	shalt  }
0x50: {  	_ =	shalt  }
0x51: {  	_ =	shalt  }
0x52: {  	_ =	shalt  }
0x53: {  	_ =	shalt  }
0x54: {  	_ =	shalt  }
0x55: {  	_ =	shalt  }
0x56: {  	_ =	shalt  }
0x57: {  	_ =	shalt  }
0x58: {  	_ =	shalt  }
0x59: {  	_ =	shalt  }
0x5a: {  	_ =	shalt  }
0x5b: {  	_ =	shalt  }
0x5c: {  	_ =	shalt  }
0x5d: {  	_ =	shalt  }
0x5e: {  	_ =	shalt  }
0x5f: {  	_ =	shalt  }
0x60: {  	_ =	shalt  }
0x61: {  	_ =	shalt  }
0x62: {  	_ =	shalt  }
0x63: {  	_ =	shalt  }
0x64: {  	_ =	shalt  }
0x65: {  	_ =	shalt  }
0x66: {  	_ =	shalt  }
0x67: {  	_ =	shalt  }
0x68: {  	_ =	shalt  }
0x69: {  	_ =	shalt  }
0x6a: {  	_ =	shalt  }
0x6b: {  	_ =	shalt  }
0x6c: {  	_ =	shalt  }
0x6d: {  	_ =	shalt  }
0x6e: {  	_ =	shalt  }
0x6f: {  	_ =	shalt  }
0x70: {  	_ =	shalt  }
0x71: {  	_ =	shalt  }
0x72: {  	_ =	shalt  }
0x73: {  	_ =	shalt  }
0x74: {  	_ =	shalt  }
0x75: {  	_ =	shalt  }
0x76: {  	_ =	shalt  }
0x77: {  	_ =	shalt  }
0x78: {  	_ =	shalt  }
0x79: {  	_ =	shalt  }
0x7a: {  	_ =	shalt  }
0x7b: {  	_ =	shalt  }
0x7c: {  	_ =	shalt  }
0x7d: {  	_ =	shalt  }
0x7e: {  	_ =	shalt  }
0x7f: {  	_ =	shalt  }
0x80: {  	_ =	shalt  }
0x81: {  	_ =	shalt  }
0x82: {  	_ =	shalt  }
0x83: {  	_ =	shalt  }
0x84: {  	_ =	shalt  }
0x85: {  	_ =	shalt  }
0x86: {  	_ =	shalt  }
0x87: {  	_ =	shalt  }
.Lfunc_end0:
.L_simem_size_0:
called_computation.1_lowered:
.L_overlay_start_0:
0x88: {  	s2 =	sld [smem:$0x3FD9]  }
0x89: {  	s3 =	sld [smem:$0x3FFE];
	_ =	sdelay $0x1  }
0x8a: {  	s1 =	srdreg.scid  }
0x8b: {  	s0 =	sand.u32 $0x1, s1  }
0x8c: {  	s17 =	sshll.u32 s0, $0xA;
	s2 =	sadd.s32 s3, s2  }
0x8d: {  	s2 =	sadd.s32 s2, s17  }
0x8e: {  	[smem:$0x3FC3] =	sst s2  }
0x8f: {  	_ = 	snop  }
0x90: {  	s2 =	sld [smem:$0x3FD0];
	(tm) =	ssettm $0x1  }
0x91: {  	s18 =	sld [smem:$0x3FFB];
	_ =	sdelay $0x3  }
0x92: {  	_ =	strace s18  }
0x93: {  	s3 =	sld [smem:$0x3FFC];
	_ =	sdelay $0x3  }
0x94: {  	_ =	strace s3  }
0x95: {  	s3 =	sld [smem:$0x3FFD];
	_ =	sdelay $0x3  }
0x96: {  	_ =	strace s3  }
0x97: {  	_ =	strace $0x8FFFFFFF  }
0x98: {  	s19 =	sld [smem:$0x3FDB];
	_ =	sdelay $0x1  }
0x99: {  	s4 =	simm.s32 $_scs_section_size  }
0x9a: {  	s5 =	simm.s32 $_size__tile_overlayer_lowered;
	s6 =	simm.s32 $_tile_overlayer_lowered  }
0x9b: {  	s22 =	simm.s32 $0x1BFF;
	s21 =	sshll.u32 s6, $0x1;
	s3 =	sadd.s32 s4, s19  }
0x9c: {  	s7 =	simm.s32 $0x0;
	s20 =	sshll.u32 s5, $0x1;
	s5 =	sadd.s32 s21, s3  }
0x9d: {  	[timem:s7], [sflag:s22] =	dma.local [hbm:s5], s20  }
0x9e: {  	_ =	swait.ge [sflag:s22], s20  }
0x9f: {  	s4 =	ssub.s32 $0x0, s20;
	[sflag:s22] =	ssyncset.done $0x0  }
0xa0: {  	[sflag:s22] =	ssyncadd.s32 s4;
	_ =	sdelay $0x1  }
0xa1: {  	s23 =	simm.s32 $0x1B8B  }
0xa2: {  	_ =	swait.ge [sflag:s23], $0x1  }
0xa3: {  	[sflag:s23] =	ssyncset.done $0x0  }
0xa4: {  	s25 =	simm.s32 $0x1B8E;
	s24 =	sld [smem:$0x3FFE];
	[sflag:s23] =	ssyncadd.s32 $0xFFFFFFFF  }
0xa5: {  	s26 =	simm.s32 $execute0_lowered;
	[smem:$0x3FD2] =	sst s25  }
0xa6: {  	s5 =	sshll.u32 s26, $0x1;
	_ =	strace $0x80000046;
	[dreg:$0x1] =	wrdreg $0xFFFFFFFF  }
0xa7: {  	s28 =	simm.s32 $_size_execute0_lowered;
	s3 =	sadd.s32 s3, s5;
	[dreg:$0x0] =	wrdreg $0x0  }
0xa8: {  	s5 =	sshll.u32 s28, $0x1;
	[dreg:$0x2] =	wrdreg s3  }
0xa9: {  	[dreg:$0x3] =	wrdreg s5  }
0xaa: {  	[dreg:$0x4] =	wrdreg $0xC0  }
0xab: {  	_ =	task [dreg:s7], $0x5FFFF  }
0xac: {  	[dreg:$0x1] =	wrdreg $0xFFFFFFFF  }
0xad: {  	[dreg:$0x0] =	wrdreg $0x60  }
0xae: {  	[dreg:$0x2] =	wrdreg s24  }
0xaf: {  	[dreg:$0x3] =	wrdreg s2  }
0xb0: {  	[dreg:$0x4] =	wrdreg $0x9  }
0xb1: {  	_ =	task.clear_ibuf [dreg:s7], $0x5FFFF;
	_ =	strace $0x90000046  }
0xb2: {  	s29 =	simm.s32 $0x9;
	_ =	strace $0x80000048  }
0xb3: {  	_ =	swait.ge [sflag:s29], $0x1  }
0xb4: {  	[sflag:s29] =	ssyncadd.s32 $0xFFFFFFFF  }
0xb5: {  	_ =	strace $0x90000048  }
0xb6: {  	_ =	sfence  }
0xb7: {  	s30 =	sld [smem:$0x0];
	_ =	sdelay $0x2  }
0xb8: {  	s31 =	sshll.u32 s1, $0xD;
	s1 =	sshrl.u32 s1, $0x2  }
0xb9: {  	s3 =	sand.u32 $0x4000, s31;
	s1 =	sadd.s32 s1, s30  }
0xba: {  	s0 =	sor.u32 s3, s0;
	s1 =	sshll.u32 s1, $0x11  }
0xbb: {  	s0 =	sor.u32 s1, s0  }
0xbc: {  	s0 =	sadd.s32 $0x8F2B, s0  }
0xbd: {  	[sflag:s0] =	ssyncadd.remote.s32 $0x1  }
0xbe: {  	_ =	sfence.sel $0xFFFF  }
0xbf: {  	[dreg:$0x0] =	wrdreg $0xFFFFFFFF;
	(pc) =	sbr.abs _section_cstart, $3  }
0xc0: {  	[dreg:$0x1] =	wrdreg $0xFFFFFFFF  }
0xc1: {  	_ =	task.clear_ibuf [dreg:s7], $0x2FFFF;
	_ =	strace $0x9FFFFFFF  }
0xc2: {  	(tm) =	ssettm $0x7FFFFFFF  }
0xc3: {  	_ =	shalt  }
tec
execute0_lowered:
.L_overlay_start_1:
0x0: {  	(tag) =	ssettag $0x1  }
0x1: {  	s0 =	srdreg.scid;
	s3 =	rddreg [dreg:$0x0]  }
0x2: {  	s5 =	rddreg [dreg:$0x1];
	s4 =	sand.u32 $0x1, s0  }
0x3: {  	s1 =	stileid.u32;
	s8 =	simm.s32 $0x0;
	s2 =	sshll.u32 s4, $0x4  }
0x4: {  	s4 =	ssub.s32 $0x2, s4;
	s6 =	sor.u32 s1, s2;
	s2 =	simm.s32 $0x0  }
0x5: {  	s7 =	sshrl.u32 s4, $0x1;
	s6 =	smul.u32 $0x500, s6;
	[smem:$0x7FF] =	sst s2  }
0x6: {  	s0 =	rddreg [dreg:$0x2];
	s7 =	ssub.s32 s4, s7;
	_ =	strace $0x80000047  }
0x7: {  	s3 =	sadd.s32 s6, s3;
	s4 =	sadd.s32 s5, s6;
	s5 =	smax.u32 s7, $0x1  }
0x8: {  	v0 =	vimm.f32 $0.0e+00;
	v1 =	vimm.f32 $1.000000000e+00;
	s6 =	simm.s32 $0x1;
	s7 =	simm.s32 $0x2800;
	s3 =	sadd.s32 $0xC000, s3  }
.LBB2_1:
0x9: {  	[tilespmem:s2], [sflag:$0x1] =	stream.linear.gather [hbm4b:s3+s2], $0x2800, $0x38;
	[tilespmem:$0x5000] =	vst v63  }
0xa: {  	_ =	swait.ge [sflag:s6], $0x2800  }
0xb: {  	[sflag:s6] =	ssyncset.done $0x0  }
0xc: {  	s9 =	simm.s32 $0x0;
	[sflag:s6] =	ssyncadd.s32 $0xFFFFD800  }
.LBB2_2:
0xd: {  	p0 =	sne.s32 s9, $0x9FC0  }
.Ltmp0:
0xe: {  	_ = 	snop;
	(pc) =	sbr.rel @p0 .LBB2_2-.Ltmp0, $3  }
0xf: {  	_ =	sdelay $0x1  }
0x10: {  	s10 =	sshra.s32 s9, $0x2  }
0x11: {  	s9 =	sadd.s32 $0x40, s9;
	[tilespmem:s10+$0x2800] =	vst v0  }
0x12: {  	s9 =	simm.s32 $0x1C0  }
.LBB2_4:
0x13: {  	s10 =	sshra.s32 s9, $0x2  }
0x14: {  	v2 =	vld [tilespmem:s10+$0xFFFFFF90];
	_ =	sdelay $0x7  }
0x15: {  	[tilespmem:v2+s7+$0x0] =	vst.idx.add.f32.msk $0xffff, v1  }
0x16: {  	v2 =	vld [tilespmem:s10+$0xFFFFFFA0];
	_ =	sdelay $0x7  }
0x17: {  	[tilespmem:v2+s7+$0x0] =	vst.idx.add.f32.msk $0xffff, v1  }
0x18: {  	v2 =	vld [tilespmem:s10+$0xFFFFFFB0];
	_ =	sdelay $0x7  }
0x19: {  	[tilespmem:v2+s7+$0x0] =	vst.idx.add.f32.msk $0xffff, v1  }
0x1a: {  	v2 =	vld [tilespmem:s10+$0xFFFFFFC0];
	_ =	sdelay $0x7  }
0x1b: {  	[tilespmem:v2+s7+$0x0] =	vst.idx.add.f32.msk $0xffff, v1  }
0x1c: {  	v2 =	vld [tilespmem:s10+$0xFFFFFFD0];
	_ =	sdelay $0x7  }
0x1d: {  	[tilespmem:v2+s7+$0x0] =	vst.idx.add.f32.msk $0xffff, v1  }
0x1e: {  	v2 =	vld [tilespmem:s10+$0xFFFFFFE0];
	_ =	sdelay $0x7  }
0x1f: {  	[tilespmem:v2+s7+$0x0] =	vst.idx.add.f32.msk $0xffff, v1  }
0x20: {  	v2 =	vld [tilespmem:s10+$0xFFFFFFF0];
	_ =	sdelay $0x7  }
0x21: {  	[tilespmem:v2+s7+$0x0] =	vst.idx.add.f32.msk $0xffff, v1  }
0x22: {  	v2 =	vld [tilespmem:s10+$0x0];
	_ =	sdelay $0x2  }
0x23: {  	p0 =	sne.s32 s9, $0x4FC0  }
.Ltmp1:
0x24: {  	_ = 	snop;
	(pc) =	sbr.rel @p0 .LBB2_4-.Ltmp1, $2  }
0x25: {  	_ =	sdelay $0x2  }
0x26: {  	s9 =	sadd.s32 $0x200, s9;
	[tilespmem:v2+s7+$0x0] =	vst.idx.add.f32.msk $0xffff, v1  }
0x27: {  	s9 =	simm.s32 $0x0  }
.LBB2_6:
0x28: {  	s10 =	sshra.s32 s9, $0x2  }
0x29: {  	v2 =	vld [tilespmem:s10+$0x1400];
	_ =	sdelay $0x7  }
0x2a: {  	[tilespmem:v2+s7+$0x0] =	vst.idx.add.f32.msk $0xffff, v1  }
0x2b: {  	v2 =	vld [tilespmem:s10+$0x1410];
	_ =	sdelay $0x7  }
0x2c: {  	[tilespmem:v2+s7+$0x0] =	vst.idx.add.f32.msk $0xffff, v1  }
0x2d: {  	v2 =	vld [tilespmem:s10+$0x1420];
	_ =	sdelay $0x7  }
0x2e: {  	[tilespmem:v2+s7+$0x0] =	vst.idx.add.f32.msk $0xffff, v1  }
0x2f: {  	v2 =	vld [tilespmem:s10+$0x1430];
	_ =	sdelay $0x7  }
0x30: {  	[tilespmem:v2+s7+$0x0] =	vst.idx.add.f32.msk $0xffff, v1  }
0x31: {  	v2 =	vld [tilespmem:s10+$0x1440];
	_ =	sdelay $0x7  }
0x32: {  	[tilespmem:v2+s7+$0x0] =	vst.idx.add.f32.msk $0xffff, v1  }
0x33: {  	v2 =	vld [tilespmem:s10+$0x1450];
	_ =	sdelay $0x7  }
0x34: {  	[tilespmem:v2+s7+$0x0] =	vst.idx.add.f32.msk $0xffff, v1  }
0x35: {  	v2 =	vld [tilespmem:s10+$0x1460];
	_ =	sdelay $0x7  }
0x36: {  	[tilespmem:v2+s7+$0x0] =	vst.idx.add.f32.msk $0xffff, v1  }
0x37: {  	v2 =	vld [tilespmem:s10+$0x1470];
	_ =	sdelay $0x2  }
0x38: {  	p0 =	sne.s32 s9, $0x4E00  }
.Ltmp2:
0x39: {  	_ = 	snop;
	(pc) =	sbr.rel @p0 .LBB2_6-.Ltmp2, $2  }
0x3a: {  	_ =	sdelay $0x2  }
0x3b: {  	s9 =	sadd.s32 $0x200, s9;
	[tilespmem:v2+s7+$0x0] =	vst.idx.add.f32.msk $0xffff, v1  }
0x3c: {  	s8 =	sadd.s32 $0x1, s8  }
0x3d: {  	p0 =	sne.s32 s8, s5  }
.Ltmp3:
0x3e: {  	_ = 	snop;
	(pc) =	sbr.rel @p0 .LBB2_1-.Ltmp3, $4  }
0x3f: {  	[hbm4b:s4+s2] =	stream.linear.scatter [tilespmem:s7], [sflag:$0x1], $0x2800, $0x38;
	[tilespmem:$0x5000] =	vst v63  }
0x40: {  	_ =	swait.ge [sflag:s6], $0x2800  }
0x41: {  	[sflag:s6] =	ssyncset.done $0x0  }
0x42: {  	[sflag:s6] =	ssyncadd.s32 $0xFFFFD800  }
0x43: {  	_ =	sfence.sel $0x180000  }
0x44: {  	[bflag:$0x0] =	sbarrier.arrive $0xFFFF  }
0x45: {  	p0 =	sne.s32 s1, $0x0;
	_ =	strace $0x90000047  }
0x46: {  	s0 =	sadd.s32 @!p0 $0x100000, s0;
	[bflag:$0x2] =	sbarrier.arrive $0xFFFF  }
0x47: {  	[sflag:s0] =	ssyncadd.tile.s32 @!p0 $0x1;
	_ =	shalt  }
.Lfunc_end2:
_tile_overlayer_lowered:
.L_overlay_start_2:
0x48: {  	(tag) =	ssettag $0x2  }
0x49: {  	s0 =	rddreg [dreg:$0x0];
	s2 =	stileid.u32  }
0x4a: {  	s1 =	rddreg [dreg:$0x1];
	p0 =	sne.s32 s2, $0x0  }
0x4b: {  	s3 =	rddreg [dreg:$0x2];
	[bflag:$0x3] =	sbarrier.arrive $0xFFFF;
	s2 =	simm.s32 @!p0 $0x1C01  }
0x4c: {  	[timem:s3], [sflag:s2] =	dma.local @!p0 [hbm:s0], s1  }
0x4d: {  	s0 =	simm.s32 @!p0 $0x1  }
0x4e: {  	_ =	swait.ge @!p0 [sflag:s0], s1  }
0x4f: {  	s1 =	ssub.s32 @!p0 $0x0, s1;
	[sflag:s0] =	ssyncset.done @!p0 $0x0  }
0x50: {  	[sflag:s0] =	ssyncadd.s32 @!p0 s1  }
0x51: {  	[bflag:$0x3] =	sbarrier.arrive $0xFFFF  }
0x52: {  	_ =	shalt  }

// kernel: sparse-core-data-format-call.cloned.1.call-start
scs
called_computation_lowered:
.L_overlay_start_0:
0x0: {  	s2 =	sld [smem:$0x3FD9]  }
0x1: {  	s3 =	sld [smem:$0x3FFE];
	_ =	sdelay $0x1  }
0x2: {  	s1 =	srdreg.scid  }
0x3: {  	s0 =	sand.u32 $0x1, s1  }
0x4: {  	s18 =	sshll.u32 s0, $0xA;
	s2 =	sadd.s32 s3, s2  }
0x5: {  	s2 =	sadd.s32 s2, s18  }
0x6: {  	[smem:$0x3FC3] =	sst s2  }
0x7: {  	_ = 	snop  }
0x8: {  	s2 =	sld [smem:$0x3FD0];
	(tm) =	ssettm $0x1  }
0x9: {  	s19 =	sld [smem:$0x3FFB];
	_ =	sdelay $0x3  }
0xa: {  	_ =	strace s19  }
0xb: {  	s3 =	sld [smem:$0x3FFC];
	_ =	sdelay $0x3  }
0xc: {  	_ =	strace s3  }
0xd: {  	s3 =	sld [smem:$0x3FFD];
	_ =	sdelay $0x3  }
0xe: {  	_ =	strace s3  }
0xf: {  	_ =	strace $0x8FFFFFFF  }
0x10: {  	s20 =	sld [smem:$0x3FDB];
	_ =	sdelay $0x1  }
0x11: {  	s4 =	simm.s32 $_scs_section_size  }
0x12: {  	s5 =	simm.s32 $_size__tile_overlayer_lowered;
	s6 =	simm.s32 $_tile_overlayer_lowered  }
0x13: {  	s23 =	simm.s32 $0x1BFF;
	s22 =	sshll.u32 s6, $0x1;
	s3 =	sadd.s32 s4, s20  }
0x14: {  	s7 =	simm.s32 $0x0;
	s21 =	sshll.u32 s5, $0x1;
	s5 =	sadd.s32 s22, s3  }
0x15: {  	[timem:s7], [sflag:s23] =	dma.local [hbm:s5], s21  }
0x16: {  	_ =	swait.ge [sflag:s23], s21  }
0x17: {  	s4 =	ssub.s32 $0x0, s21;
	[sflag:s23] =	ssyncset.done $0x0  }
0x18: {  	[sflag:s23] =	ssyncadd.s32 s4;
	_ =	sdelay $0x1  }
0x19: {  	s24 =	simm.s32 $0x1B8B  }
0x1a: {  	_ =	swait.ge [sflag:s24], $0x1  }
0x1b: {  	[sflag:s24] =	ssyncset.done $0x0  }
0x1c: {  	s26 =	simm.s32 $0x1B8E;
	s25 =	sld [smem:$0x3FFE];
	[sflag:s24] =	ssyncadd.s32 $0xFFFFFFFF  }
0x1d: {  	s27 =	simm.s32 $execute0_lowered;
	[smem:$0x3FD2] =	sst s26  }
0x1e: {  	s5 =	sshll.u32 s27, $0x1;
	_ =	strace $0x8000004F;
	[dreg:$0x1] =	wrdreg $0xFFFFFFFF  }
0x1f: {  	s28 =	simm.s32 $_size_execute0_lowered;
	s3 =	sadd.s32 s3, s5;
	[dreg:$0x0] =	wrdreg $0x0  }
0x20: {  	s5 =	sshll.u32 s28, $0x1;
	[dreg:$0x2] =	wrdreg s3  }
0x21: {  	[dreg:$0x3] =	wrdreg s5  }
0x22: {  	[dreg:$0x4] =	wrdreg $0xC0  }
0x23: {  	_ =	task [dreg:s7], $0x5FFFF  }
0x24: {  	[dreg:$0x1] =	wrdreg $0xFFFFFFFF  }
0x25: {  	[dreg:$0x0] =	wrdreg $0x60  }
0x26: {  	[dreg:$0x2] =	wrdreg s25  }
0x27: {  	[dreg:$0x3] =	wrdreg s2  }
0x28: {  	[dreg:$0x4] =	wrdreg $0x9  }
0x29: {  	_ =	task.clear_ibuf [dreg:s7], $0x5FFFF;
	_ =	strace $0x9000004F  }
0x2a: {  	s29 =	simm.s32 $0x9;
	_ =	strace $0x80000051  }
0x2b: {  	_ =	swait.ge [sflag:s29], $0x1  }
0x2c: {  	[sflag:s29] =	ssyncadd.s32 $0xFFFFFFFF  }
0x2d: {  	_ =	strace $0x90000051  }
0x2e: {  	_ =	sfence  }
0x2f: {  	s30 =	sld [smem:$0x0];
	_ =	sdelay $0x2  }
0x30: {  	s31 =	sshll.u32 s1, $0xD;
	s1 =	sshrl.u32 s1, $0x2  }
0x31: {  	s3 =	sand.u32 $0x4000, s31;
	s1 =	sadd.s32 s1, s30  }
0x32: {  	s0 =	sor.u32 s3, s0;
	s1 =	sshll.u32 s1, $0x11  }
0x33: {  	s0 =	sor.u32 s1, s0  }
0x34: {  	s0 =	sadd.s32 $0x8F2B, s0  }
0x35: {  	[sflag:s0] =	ssyncadd.remote.s32 $0x1  }
0x36: {  	_ =	sfence.sel $0xFFFF  }
0x37: {  	[dreg:$0x0] =	wrdreg $0xFFFFFFFF;
	(pc) =	sbr.abs _section_cstart, $3  }
0x38: {  	[dreg:$0x1] =	wrdreg $0xFFFFFFFF  }
0x39: {  	_ =	task.clear_ibuf [dreg:s7], $0x2FFFF;
	_ =	strace $0x9FFFFFFF  }
0x3a: {  	(tm) =	ssettm $0x7FFFFFFF  }
0x3b: {  	_ =	shalt  }
tec
execute0_lowered:
.L_overlay_start_1:
0x0: {  	(tag) =	ssettag $0x1  }
0x1: {  	s0 =	srdreg.scid  }
0x2: {  	s1 =	sshll.u32 s0, $0x4  }
0x3: {  	s0 =	stileid.u32;
	s1 =	sand.u32 $0x10, s1  }
0x4: {  	s1 =	sor.u32 s0, s1  }
0x5: {  	s6 =	rddreg [dreg:$0x0];
	s4 =	simm.s32 $0x1;
	s2 =	sshll.u32 s1, $0x6  }
0x6: {  	s7 =	simm.s32 $0x2;
	s13 =	simm.s32 $0x0;
	s1 =	ssub.s32 $0x1000, s2  }
0x7: {  	s8 =	simm.s32 $0x2000;
	s9 =	simm.s32 $0x80000;
	s3 =	sand.u32 $0x7C0, s1  }
0x8: {  	s14 =	simm.s32 $0x0;
	s5 =	sshrl.u32 s1, $0xB;
	p0 =	sne.s32 s3, $0x0  }
.Ltmp0:
0x9: {  	s1 =	rddreg [dreg:$0x2];
	s4 =	simm.s32 @!p0 $0x0;
	(pc) =	sbr.rel .LBB1_1-.Ltmp0, $4  }
0xa: {  	s10 =	simm.s32 $0x0;
	s3 =	rddreg [dreg:$0x1];
	s5 =	sadd.s32 s4, s5  }
0xb: {  	_ =	strace $0x80000050;
	s4 =	simm.s32 $0x1;
	s5 =	smul.u32 $0xD, s5  }
0xc: {  	s12 =	simm.s32 $0x0;
	s6 =	sadd.s32 $0x2000, s6;
	[sflag:s4] =	ssyncpa.u1 $0x0  }
0xd: {  	s11 =	smov.u32 s2;
	[sflag:s7] =	ssyncpa.u1 $0x0;
	s7 =	sadd.s32 $0x1, s5  }
.LBB1_7:
0xe: {  	s15 =	sadd.s32 $0x2, s10  }
0xf: {  	s13 =	sadd.s32 $0x800, s11;
	s17 =	smov.u32 s11;
	p1 =	sgt.s32 s15, $0x19  }
0x10: {  	s17 =	smov.u32 @p1 s13  }
0x11: {  	s15 =	simm.s32 @p1 $0x0;
	p1 =	sgt.s32 s17, $0xFFF  }
0x12: {  	s17 =	smov.u32 @p1 s2;
	p1 =	sne.s32 s12, s7  }
.Ltmp1:
0x13: {  	p0 =	slt.u32 s12, $0x2;
	(pc) =	sbr.rel @!p1 .LBB1_8-.Ltmp1, $4  }
0x14: {  	s16 =	simm.s32 @!p0 $0x2  }
0x15: {  	s14 =	smov.u32 s11;
	_ =	swait.ge @!p0 [sflag:s16], $0x4000  }
0x16: {  	s13 =	smov.u32 s10;
	[sflag:s16] =	ssyncset.done @!p0 $0x0;
	s10 =	smov.u32 s15  }
0x17: {  	s12 =	sadd.s32 $0x1, s12;
	[sflag:s16] =	ssyncadd.s32 @!p0 $0xFFFFC000;
	s11 =	smov.u32 s17  }
.LBB1_1:
0x18: {  	p0 =	sge.u32 s12, s5  }
0x19: {  	s31 =	sadd.s32 $0xFFFFFFFF, s12;
	s15 =	sxor.u32 @!p0 $0xFFFFFFFF, s12  }
0x1a: {  	s16 =	sshll.u32 @!p0 s11, $0x9;
	s17 =	sshll.u32 @!p0 s10, $0x4;
	s18 =	simm.s32 @!p0 $0x1000  }
0x1b: {  	s15 =	sshll.u32 @!p0 s15, $0xE;
	s17 =	sand.u32 @!p0 $0x1F0, s17;
	s16 =	sadd.s32 @!p0 s6, s16  }
0x1c: {  	s15 =	sand.u32 @!p0 $0x4000, s15;
	s16 =	sadd.s32 @!p0 s17, s16;
	s17 =	simm.s32 @!p0 $0x100  }
0x1d: {  	[tilespmem:s15], [sflag:$0x1] =	stream.strided.gather @!p0 [hbm4b:s16+s17], $0x4000, s18, s17, $0x38;
	[tilespmem:$0x10000] =	vst v63  }
0x1e: {  	p0 =	sge.u32 s31, s5  }
.Ltmp2:
0x1f: {  	_ = 	snop;
	(pc) =	sbr.rel @p0 .LBB1_7-.Ltmp2, $1  }
0x20: {  	_ =	sdelay $0x3  }
0x21: {  	_ =	swait.ge [sflag:s4], $0x4000;
	s15 =	sshll.u32 s12, $0xE  }
0x22: {  	[sflag:s4] =	ssyncset.done $0x0;
	s16 =	sand.u32 $0x4000, s15  }
0x23: {  	s17 =	simm.s32 $0x0;
	[sflag:s4] =	ssyncadd.s32 $0xFFFFC000;
	s15 =	sor.u32 $0x8000, s16  }
.LBB1_3:
0x24: {  	s18 =	sshll.u32 s17, $0x8  }
0x25: {  	s18 =	sand.u32 $0x3FFFFF00, s18  }
0x26: {  	s19 =	sshll.u32 s17, $0x7;
	s18 =	sadd.s32 s18, s16  }
0x27: {  	s19 =	sand.u32 $0x3FFFFF80, s19;
	v0 =	vmov s18  }
0x28: {  	s19 =	sadd.s32 s19, s15  }
0x29: {  	p0 =	por $0x1, $0x1;
	v1 =	vmov s19;
	s18 =	simm.s32 $0x0  }
.LBB1_4:
0x2a: {  	s19 =	sshll.u32 s18, $0x7  }
0x2b: {  	s19 =	sand.u32 $0x3FFFFF80, s19  }
0x2c: {  	v2 =	vld.idx.msk [tilespmem:v0+s19+$0x0 ss:$0x1], $0xffff  }
0x2d: {  	v3 =	vld.idx.msk [tilespmem:v0+s19+$0x10 ss:$0x1], $0xffff  }
0x2e: {  	v4 =	vld.idx.msk [tilespmem:v0+s19+$0x20 ss:$0x1], $0xffff  }
0x2f: {  	s31 =	sshll.u32 s18, $0xD;
	v5 =	vld.idx.msk [tilespmem:v0+s19+$0x30 ss:$0x1], $0xffff  }
0x30: {  	s18 =	sand.u32 $0x3FFFE000, s31;
	v6 =	vld.idx.msk [tilespmem:v0+s19+$0x40 ss:$0x1], $0xffff  }
0x31: {  	v63 =	vld.idx.msk [tilespmem:v0+s19+$0x70 ss:$0x1], $0xffff;
	[tilespmem:v1+s18+$0x0 ss:$0x1] =	vst.idx.msk $0xffff, v2  }
0x32: {  	v2 =	vld.idx.msk [tilespmem:v0+s19+$0x50 ss:$0x1], $0xffff;
	[tilespmem:v1+s18+$0x10 ss:$0x1] =	vst.idx.msk $0xffff, v3  }
0x33: {  	p1 =	por p0, p0;
	v3 =	vld.idx.msk [tilespmem:v0+s19+$0x60 ss:$0x1], $0xffff;
	[tilespmem:v1+s18+$0x20 ss:$0x1] =	vst.idx.msk $0xffff, v4  }
.Ltmp3:
0x34: {  	[tilespmem:v1+s18+$0x30 ss:$0x1] =	vst.idx.msk $0xffff, v5;
	(pc) =	sbr.rel @p1 .LBB1_4-.Ltmp3, $4  }
0x35: {  	[tilespmem:v1+s18+$0x40 ss:$0x1] =	vst.idx.msk $0xffff, v6  }
0x36: {  	[tilespmem:v1+s18+$0x70 ss:$0x1] =	vst.idx.msk $0xffff, v63  }
0x37: {  	[tilespmem:v1+s18+$0x50 ss:$0x1] =	vst.idx.msk $0xffff, v2  }
0x38: {  	p0 =	por $0x0, $0x0;
	[tilespmem:v1+s18+$0x60 ss:$0x1] =	vst.idx.msk $0xffff, v3;
	s18 =	simm.s32 $0x1  }
0x39: {  	s17 =	sadd.s32 $0x1, s17  }
0x3a: {  	p0 =	sne.s32 s17, $0x40  }
.Ltmp4:
0x3b: {  	_ = 	snop;
	(pc) =	sbr.rel @p0 .LBB1_3-.Ltmp4, $1  }
0x3c: {  	_ =	sdelay $0x3  }
.Ltmp5:
0x3d: {  	s14 =	sshll.u32 s14, $0x4;
	(pc) =	sbr.rel .LBB1_7-.Ltmp5, $4  }
0x3e: {  	s14 =	sand.u32 $0xFFF0, s14  }
0x3f: {  	s13 =	sshll.u32 s13, $0x10;
	s14 =	sadd.s32 s3, s14  }
0x40: {  	s13 =	sadd.s32 s13, s14  }
0x41: {  	[hbm4b:s13+s8] =	stream.strided.scatter [tilespmem:s15], [sflag:$0x2], $0x4000, s9, s8, $0x38;
	[tilespmem:$0x10000] =	vst v63  }
.LBB1_8:
0x42: {  	_ =	sfence.sel $0x180000  }
0x43: {  	s2 =	simm.s32 $0x1;
	[bflag:$0x0] =	sbarrier.arrive $0xFFFF  }
0x44: {  	s31 =	simm.s32 $0x2;
	[sflag:s2] =	ssyncpa.u1 $0x1  }
0x45: {  	[sflag:s31] =	ssyncpa.u1 $0x1  }
0x46: {  	p0 =	sne.s32 s0, $0x0;
	_ =	strace $0x90000050  }
0x47: {  	s0 =	sadd.s32 @!p0 $0x100000, s1;
	[bflag:$0x2] =	sbarrier.arrive $0xFFFF  }
0x48: {  	[sflag:s0] =	ssyncadd.tile.s32 @!p0 $0x1;
	_ =	shalt  }
.Lfunc_end1:
_tile_overlayer_lowered:
.L_overlay_start_2:
0x49: {  	(tag) =	ssettag $0x2  }
0x4a: {  	s0 =	rddreg [dreg:$0x0];
	s2 =	stileid.u32  }
0x4b: {  	s1 =	rddreg [dreg:$0x1];
	p0 =	sne.s32 s2, $0x0  }
0x4c: {  	s3 =	rddreg [dreg:$0x2];
	[bflag:$0x3] =	sbarrier.arrive $0xFFFF;
	s2 =	simm.s32 @!p0 $0x1C01  }
0x4d: {  	[timem:s3], [sflag:s2] =	dma.local @!p0 [hbm:s0], s1  }
0x4e: {  	s0 =	simm.s32 @!p0 $0x1  }
0x4f: {  	_ =	swait.ge @!p0 [sflag:s0], s1  }
0x50: {  	s1 =	ssub.s32 @!p0 $0x0, s1;
	[sflag:s0] =	ssyncset.done @!p0 $0x0  }
0x51: {  	[sflag:s0] =	ssyncadd.s32 @!p0 s1  }
0x52: {  	[bflag:$0x3] =	sbarrier.arrive $0xFFFF  }
0x53: {  	_ =	shalt  }

</sc_bundles>
